<compile_context>
chip_gen: v7x
topology: tpu7x:2x2x1
jax: 0.10.2.dev20260603
libtpu: 0.0.44.dev20260713+nightly
codegen_flags: <defaults>
</compile_context>

<pallas_src>
import functools

import jax
import jax.numpy as jnp
from jax import lax
from jax.experimental import pallas as pl
from jax.experimental.pallas import tpu as pltpu
from jax.experimental.pallas import tpu_sc as plsc

_B = 16384
_C = 1000
_NC = 2
_NS = 16
_NW = _NC * _NS
_BPW = _B // _NW
_CHUNK = 128
_NCHUNK = _BPW // _CHUNK
_LANES = 16


@functools.partial(
    pl.kernel,
    out_type=jax.ShapeDtypeStruct((_B,), jnp.float32),
    mesh=plsc.VectorSubcoreMesh(
        core_axis_name="c", subcore_axis_name="s",
        num_cores=_NC, num_subcores=_NS),
    scratch_types=[
        pltpu.VMEM((_BPW,), jnp.int32),
        pltpu.VMEM((_BPW,), jnp.int32),
        pltpu.VMEM((_BPW,), jnp.float32),
        pltpu.SemaphoreType.DMA,
        pltpu.SemaphoreType.DMA((_NCHUNK,)),
        pltpu.SemaphoreType.DMA((_NCHUNK,)),
    ],
)
def _match_class_sc(table_hbm, idx_hbm, out_hbm,
                    idx_v, flat_v, vals_v, isem, gsem, osem):
    wid = lax.axis_index("s") * _NC + lax.axis_index("c")
    base = wid * _BPW
    lane = lax.iota(jnp.int32, _LANES)
    pltpu.async_copy(idx_hbm.at[pl.ds(base, _BPW)], idx_v, isem).wait()
    gathers = []
    for j in range(_NCHUNK):
        for k in range(_CHUNK // _LANES):
            i = j * (_CHUNK // _LANES) + k
            row0 = base + i * _LANES
            r_term = ((row0 >> 7) << 10) + (row0 & 127)
            c = idx_v[pl.ds(i * _LANES, _LANES)]
            w = (
                lax.shift_left(lax.shift_right_logical(c, 3), 17)
                + lax.shift_left(lax.bitwise_and(c, 7), 7)
                + (lane + r_term)
            )
            flat_v[pl.ds(i * _LANES, _LANES)] = w
        gathers.append(
            pltpu.async_copy(
                table_hbm.at[flat_v.at[pl.ds(j * _CHUNK, _CHUNK)]],
                vals_v.at[pl.ds(j * _CHUNK, _CHUNK)],
                gsem.at[j],
            )
        )
    stores = []
    for j in range(_NCHUNK):
        gathers[j].wait()
        stores.append(
            pltpu.async_copy(
                vals_v.at[pl.ds(j * _CHUNK, _CHUNK)],
                out_hbm.at[pl.ds(base + j * _CHUNK, _CHUNK)],
                osem.at[j],
            )
        )
    for cp in stores:
        cp.wait()


def kernel(class_pred_softmax, class_max_prob_A_index):
    x = class_pred_softmax.T.reshape(_C // 8, 8, _B // 128, 128)
    x = x.transpose(0, 2, 1, 3)
    flat = x.reshape(_B * _C)
    idx = class_max_prob_A_index.astype(jnp.int32)
    return _match_class_sc(flat, idx)

# --- scband reference (transcript-rebuilt; emitter-appended) ---
"""Pipeline reference for scband-match-class-60507499266925 (READ-ONLY COPY).

The authoritative reference and input builder live on the scoring server;
editing this copy changes nothing except your own understanding.
"""

import jax, jax.numpy as jnp
import numpy as np


def setup_inputs(seed: int = 0) -> dict:
    key = jax.random.key(seed)
    k1, k2 = jax.random.split(key)
    class_pred_softmax = jax.random.uniform(k1, (16384, 1000), dtype=jnp.float32)
    # normalize rows so it is a genuine softmax-like distribution
    class_pred_softmax = class_pred_softmax / jnp.sum(class_pred_softmax, axis=1, keepdims=True)
    class_max_prob_A_index = jax.random.randint(k2, (16384,), 0, 1000, dtype=jnp.int64)
    return {"class_pred_softmax": class_pred_softmax, "class_max_prob_A_index": class_max_prob_A_index}


def reference(class_pred_softmax, class_max_prob_A_index):
    # MatchClassFunction: for each row, pick the probability at the matched class index
    # (row-wise gather along the class dimension).
    gathered = jnp.take_along_axis(class_pred_softmax, class_max_prob_A_index[:, None], axis=1)
    return gathered[:, 0]

if __name__ == "__main__":
    import jax
    _d = setup_inputs()
    print(jax.jit(kernel)(*tuple(_d.values())))

</pallas_src>

<mosaic_0001>
#map = affine_map<(d0, d1) -> (0)>
module attributes {stable_mosaic.version = 14 : i64} {
  func.func @_match_class_sc(%arg0: i32, %arg1: i32, %arg2: memref<16384000xf32, #tpu.memory_space<hbm>>, %arg3: memref<16384xi32, #tpu.memory_space<hbm>>, %arg4: memref<16384xf32, #tpu.memory_space<hbm>>, %arg5: memref<512xi32, #tpu.memory_space<vmem>>, %arg6: memref<512xi32, #tpu.memory_space<vmem>>, %arg7: memref<512xf32, #tpu.memory_space<vmem>>, %arg8: memref<!tpu.dma_semaphore, #tpu.memory_space<semaphore_mem>>, %arg9: memref<4x!tpu.dma_semaphore, #tpu.memory_space<semaphore_mem>>, %arg10: memref<4x!tpu.dma_semaphore, #tpu.memory_space<semaphore_mem>>) attributes {dimension_semantics = [#tpu.dimension_semantics<core_parallel>, #tpu.dimension_semantics<subcore_parallel>], iteration_bounds = array<i64: 2, 16>, scalar_prefetch = 0 : i64, scratch_operands = 6 : i64, tpu.core_type = #tpu.core_type<sc_vector_subcore>, window_params = [{transform_indices = #map}, {transform_indices = #map}, {transform_indices = #map}]} {
    %mul3A = arith.constant 2 : i32
    %mul3A_0 = arith.muli %arg1, %mul3A : i32
    %add3A = arith.addi %mul3A_0, %arg0 : i32
    %mul3A_1 = arith.constant 512 : i32
    %mul3A_2 = arith.muli %add3A, %mul3A_1 : i32
    %iota3A = tpu.iota {dimensions = array<i32: 0>} : vector<16xi32>
    %dma_start3A = tpu.memref_slice %arg3[%mul3A_2] : memref<16384xi32, #tpu.memory_space<hbm>> -> memref<512xi32, #tpu.memory_space<hbm>>
    %dma_start3A_3 = tpu.memref_slice %arg3[%mul3A_2] : memref<16384xi32, #tpu.memory_space<hbm>> -> memref<512xi32, #tpu.memory_space<hbm>>
    tpu.enqueue_dma source(%dma_start3A_3 : memref<512xi32, #tpu.memory_space<hbm>>) target(%arg5 : memref<512xi32, #tpu.memory_space<vmem>>) target_semaphore(%arg8 : memref<!tpu.dma_semaphore, #tpu.memory_space<semaphore_mem>>)
    %dma_wait3A = tpu.memref_slice %arg3[%mul3A_2] : memref<16384xi32, #tpu.memory_space<hbm>> -> memref<512xi32, #tpu.memory_space<hbm>>
    %dma_wait3A_4 = tpu.memref_slice %arg3[%mul3A_2] : memref<16384xi32, #tpu.memory_space<hbm>> -> memref<512xi32, #tpu.memory_space<hbm>>
    tpu.wait_dma2 semaphore(%arg8 : memref<!tpu.dma_semaphore, #tpu.memory_space<semaphore_mem>>) src(%dma_wait3A_4 : memref<512xi32, #tpu.memory_space<hbm>>) dst(%arg5 : memref<512xi32, #tpu.memory_space<vmem>>)
    %add3A_5 = arith.constant 0 : i32
    %add3A_6 = arith.addi %mul3A_2, %add3A_5 : i32
    %shift_right_arithmetic3A = arith.constant 7 : i32
    %shift_right_arithmetic3A_7 = arith.shrsi %add3A_6, %shift_right_arithmetic3A : i32
    %shift_left3A = arith.constant 10 : i32
    %shift_left3A_8 = arith.shli %shift_right_arithmetic3A_7, %shift_left3A : i32
    %and3A = arith.constant 127 : i32
    %and3A_9 = arith.andi %add3A_6, %and3A : i32
    %add3A_10 = arith.addi %shift_left3A_8, %and3A_9 : i32
    %get3A = arith.constant 0 : index
    %get3A_11 = tpu.vector_load %arg5[%get3A] {strides = array<i32>} : memref<512xi32, #tpu.memory_space<vmem>>, vector<16xi32>,
    %get3A_12 = vector.shape_cast %get3A_11 : vector<16xi32> to vector<16xi32>
    %shift_right_logical3A = arith.constant 3 : i32
    %shift_right_logical3A_13 = vector.broadcast %shift_right_logical3A : i32 to vector<16xi32>
    %shift_right_logical3A_14 = arith.shrui %get3A_12, %shift_right_logical3A_13 : vector<16xi32>
    %shift_left3A_15 = arith.constant 17 : i32
    %shift_left3A_16 = vector.broadcast %shift_left3A_15 : i32 to vector<16xi32>
    %shift_left3A_17 = arith.shli %shift_right_logical3A_14, %shift_left3A_16 : vector<16xi32>
    %and3A_18 = arith.constant 7 : i32
    %and3A_19 = vector.broadcast %and3A_18 : i32 to vector<16xi32>
    %and3A_20 = arith.andi %get3A_12, %and3A_19 : vector<16xi32>
    %shift_left3A_21 = arith.constant 7 : i32
    %shift_left3A_22 = vector.broadcast %shift_left3A_21 : i32 to vector<16xi32>
    %shift_left3A_23 = arith.shli %and3A_20, %shift_left3A_22 : vector<16xi32>
    %add3A_24 = arith.addi %shift_left3A_17, %shift_left3A_23 : vector<16xi32>
    %add3A_25 = vector.broadcast %add3A_10 : i32 to vector<16xi32>
    %add3A_26 = arith.addi %iota3A, %add3A_25 : vector<16xi32>
    %add3A_27 = arith.addi %add3A_24, %add3A_26 : vector<16xi32>
    %swap3A = arith.constant 0 : index
    %swap3A_28 = tpu.vector_load %arg6[%swap3A] {strides = array<i32>} : memref<512xi32, #tpu.memory_space<vmem>>, vector<16xi32>,
    %swap3A_29 = vector.shape_cast %swap3A_28 : vector<16xi32> to vector<16xi32>
    %swap3A_30 = vector.shape_cast %add3A_27 : vector<16xi32> to vector<16xi32>
    tpu.vector_store %arg6[%swap3A], %swap3A_30 {strides = array<i32>} : memref<512xi32, #tpu.memory_space<vmem>>, vector<16xi32>,
    %add3A_31 = arith.constant 16 : i32
    %add3A_32 = arith.addi %mul3A_2, %add3A_31 : i32
    %shift_right_arithmetic3A_33 = arith.constant 7 : i32
    %shift_right_arithmetic3A_34 = arith.shrsi %add3A_32, %shift_right_arithmetic3A_33 : i32
    %shift_left3A_35 = arith.constant 10 : i32
    %shift_left3A_36 = arith.shli %shift_right_arithmetic3A_34, %shift_left3A_35 : i32
    %and3A_37 = arith.constant 127 : i32
    %and3A_38 = arith.andi %add3A_32, %and3A_37 : i32
    %add3A_39 = arith.addi %shift_left3A_36, %and3A_38 : i32
    %get3A_40 = arith.constant 16 : index
    %get3A_41 = tpu.vector_load %arg5[%get3A_40] {strides = array<i32>} : memref<512xi32, #tpu.memory_space<vmem>>, vector<16xi32>,
    %get3A_42 = vector.shape_cast %get3A_41 : vector<16xi32> to vector<16xi32>
    %shift_right_logical3A_43 = arith.constant 3 : i32
    %shift_right_logical3A_44 = vector.broadcast %shift_right_logical3A_43 : i32 to vector<16xi32>
    %shift_right_logical3A_45 = arith.shrui %get3A_42, %shift_right_logical3A_44 : vector<16xi32>
    %shift_left3A_46 = arith.constant 17 : i32
    %shift_left3A_47 = vector.broadcast %shift_left3A_46 : i32 to vector<16xi32>
    %shift_left3A_48 = arith.shli %shift_right_logical3A_45, %shift_left3A_47 : vector<16xi32>
    %and3A_49 = arith.constant 7 : i32
    %and3A_50 = vector.broadcast %and3A_49 : i32 to vector<16xi32>
    %and3A_51 = arith.andi %get3A_42, %and3A_50 : vector<16xi32>
    %shift_left3A_52 = arith.constant 7 : i32
    %shift_left3A_53 = vector.broadcast %shift_left3A_52 : i32 to vector<16xi32>
    %shift_left3A_54 = arith.shli %and3A_51, %shift_left3A_53 : vector<16xi32>
    %add3A_55 = arith.addi %shift_left3A_48, %shift_left3A_54 : vector<16xi32>
    %add3A_56 = vector.broadcast %add3A_39 : i32 to vector<16xi32>
    %add3A_57 = arith.addi %iota3A, %add3A_56 : vector<16xi32>
    %add3A_58 = arith.addi %add3A_55, %add3A_57 : vector<16xi32>
    %swap3A_59 = arith.constant 16 : index
    %swap3A_60 = tpu.vector_load %arg6[%swap3A_59] {strides = array<i32>} : memref<512xi32, #tpu.memory_space<vmem>>, vector<16xi32>,
    %swap3A_61 = vector.shape_cast %swap3A_60 : vector<16xi32> to vector<16xi32>
    %swap3A_62 = vector.shape_cast %add3A_58 : vector<16xi32> to vector<16xi32>
    tpu.vector_store %arg6[%swap3A_59], %swap3A_62 {strides = array<i32>} : memref<512xi32, #tpu.memory_space<vmem>>, vector<16xi32>,
    %add3A_63 = arith.constant 32 : i32
    %add3A_64 = arith.addi %mul3A_2, %add3A_63 : i32
    %shift_right_arithmetic3A_65 = arith.constant 7 : i32
    %shift_right_arithmetic3A_66 = arith.shrsi %add3A_64, %shift_right_arithmetic3A_65 : i32
    %shift_left3A_67 = arith.constant 10 : i32
    %shift_left3A_68 = arith.shli %shift_right_arithmetic3A_66, %shift_left3A_67 : i32
    %and3A_69 = arith.constant 127 : i32
    %and3A_70 = arith.andi %add3A_64, %and3A_69 : i32
    %add3A_71 = arith.addi %shift_left3A_68, %and3A_70 : i32
    %get3A_72 = arith.constant 32 : index
    %get3A_73 = tpu.vector_load %arg5[%get3A_72] {strides = array<i32>} : memref<512xi32, #tpu.memory_space<vmem>>, vector<16xi32>,
    %get3A_74 = vector.shape_cast %get3A_73 : vector<16xi32> to vector<16xi32>
    %shift_right_logical3A_75 = arith.constant 3 : i32
    %shift_right_logical3A_76 = vector.broadcast %shift_right_logical3A_75 : i32 to vector<16xi32>
    %shift_right_logical3A_77 = arith.shrui %get3A_74, %shift_right_logical3A_76 : vector<16xi32>
    %shift_left3A_78 = arith.constant 17 : i32
    %shift_left3A_79 = vector.broadcast %shift_left3A_78 : i32 to vector<16xi32>
    %shift_left3A_80 = arith.shli %shift_right_logical3A_77, %shift_left3A_79 : vector<16xi32>
    %and3A_81 = arith.constant 7 : i32
    %and3A_82 = vector.broadcast %and3A_81 : i32 to vector<16xi32>
    %and3A_83 = arith.andi %get3A_74, %and3A_82 : vector<16xi32>
    %shift_left3A_84 = arith.constant 7 : i32
    %shift_left3A_85 = vector.broadcast %shift_left3A_84 : i32 to vector<16xi32>
    %shift_left3A_86 = arith.shli %and3A_83, %shift_left3A_85 : vector<16xi32>
    %add3A_87 = arith.addi %shift_left3A_80, %shift_left3A_86 : vector<16xi32>
    %add3A_88 = vector.broadcast %add3A_71 : i32 to vector<16xi32>
    %add3A_89 = arith.addi %iota3A, %add3A_88 : vector<16xi32>
    %add3A_90 = arith.addi %add3A_87, %add3A_89 : vector<16xi32>
    %swap3A_91 = arith.constant 32 : index
    %swap3A_92 = tpu.vector_load %arg6[%swap3A_91] {strides = array<i32>} : memref<512xi32, #tpu.memory_space<vmem>>, vector<16xi32>,
    %swap3A_93 = vector.shape_cast %swap3A_92 : vector<16xi32> to vector<16xi32>
    %swap3A_94 = vector.shape_cast %add3A_90 : vector<16xi32> to vector<16xi32>
    tpu.vector_store %arg6[%swap3A_91], %swap3A_94 {strides = array<i32>} : memref<512xi32, #tpu.memory_space<vmem>>, vector<16xi32>,
    %add3A_95 = arith.constant 48 : i32
    %add3A_96 = arith.addi %mul3A_2, %add3A_95 : i32
    %shift_right_arithmetic3A_97 = arith.constant 7 : i32
    %shift_right_arithmetic3A_98 = arith.shrsi %add3A_96, %shift_right_arithmetic3A_97 : i32
    %shift_left3A_99 = arith.constant 10 : i32
    %shift_left3A_100 = arith.shli %shift_right_arithmetic3A_98, %shift_left3A_99 : i32
    %and3A_101 = arith.constant 127 : i32
    %and3A_102 = arith.andi %add3A_96, %and3A_101 : i32
    %add3A_103 = arith.addi %shift_left3A_100, %and3A_102 : i32
    %get3A_104 = arith.constant 48 : index
    %get3A_105 = tpu.vector_load %arg5[%get3A_104] {strides = array<i32>} : memref<512xi32, #tpu.memory_space<vmem>>, vector<16xi32>,
    %get3A_106 = vector.shape_cast %get3A_105 : vector<16xi32> to vector<16xi32>
    %shift_right_logical3A_107 = arith.constant 3 : i32
    %shift_right_logical3A_108 = vector.broadcast %shift_right_logical3A_107 : i32 to vector<16xi32>
    %shift_right_logical3A_109 = arith.shrui %get3A_106, %shift_right_logical3A_108 : vector<16xi32>
    %shift_left3A_110 = arith.constant 17 : i32
    %shift_left3A_111 = vector.broadcast %shift_left3A_110 : i32 to vector<16xi32>
    %shift_left3A_112 = arith.shli %shift_right_logical3A_109, %shift_left3A_111 : vector<16xi32>
    %and3A_113 = arith.constant 7 : i32
    %and3A_114 = vector.broadcast %and3A_113 : i32 to vector<16xi32>
    %and3A_115 = arith.andi %get3A_106, %and3A_114 : vector<16xi32>
    %shift_left3A_116 = arith.constant 7 : i32
    %shift_left3A_117 = vector.broadcast %shift_left3A_116 : i32 to vector<16xi32>
    %shift_left3A_118 = arith.shli %and3A_115, %shift_left3A_117 : vector<16xi32>
    %add3A_119 = arith.addi %shift_left3A_112, %shift_left3A_118 : vector<16xi32>
    %add3A_120 = vector.broadcast %add3A_103 : i32 to vector<16xi32>
    %add3A_121 = arith.addi %iota3A, %add3A_120 : vector<16xi32>
    %add3A_122 = arith.addi %add3A_119, %add3A_121 : vector<16xi32>
    %swap3A_123 = arith.constant 48 : index
    %swap3A_124 = tpu.vector_load %arg6[%swap3A_123] {strides = array<i32>} : memref<512xi32, #tpu.memory_space<vmem>>, vector<16xi32>,
    %swap3A_125 = vector.shape_cast %swap3A_124 : vector<16xi32> to vector<16xi32>
    %swap3A_126 = vector.shape_cast %add3A_122 : vector<16xi32> to vector<16xi32>
    tpu.vector_store %arg6[%swap3A_123], %swap3A_126 {strides = array<i32>} : memref<512xi32, #tpu.memory_space<vmem>>, vector<16xi32>,
    %add3A_127 = arith.constant 64 : i32
    %add3A_128 = arith.addi %mul3A_2, %add3A_127 : i32
    %shift_right_arithmetic3A_129 = arith.constant 7 : i32
    %shift_right_arithmetic3A_130 = arith.shrsi %add3A_128, %shift_right_arithmetic3A_129 : i32
    %shift_left3A_131 = arith.constant 10 : i32
    %shift_left3A_132 = arith.shli %shift_right_arithmetic3A_130, %shift_left3A_131 : i32
    %and3A_133 = arith.constant 127 : i32
    %and3A_134 = arith.andi %add3A_128, %and3A_133 : i32
    %add3A_135 = arith.addi %shift_left3A_132, %and3A_134 : i32
    %get3A_136 = arith.constant 64 : index
    %get3A_137 = tpu.vector_load %arg5[%get3A_136] {strides = array<i32>} : memref<512xi32, #tpu.memory_space<vmem>>, vector<16xi32>,
    %get3A_138 = vector.shape_cast %get3A_137 : vector<16xi32> to vector<16xi32>
    %shift_right_logical3A_139 = arith.constant 3 : i32
    %shift_right_logical3A_140 = vector.broadcast %shift_right_logical3A_139 : i32 to vector<16xi32>
    %shift_right_logical3A_141 = arith.shrui %get3A_138, %shift_right_logical3A_140 : vector<16xi32>
    %shift_left3A_142 = arith.constant 17 : i32
    %shift_left3A_143 = vector.broadcast %shift_left3A_142 : i32 to vector<16xi32>
    %shift_left3A_144 = arith.shli %shift_right_logical3A_141, %shift_left3A_143 : vector<16xi32>
    %and3A_145 = arith.constant 7 : i32
    %and3A_146 = vector.broadcast %and3A_145 : i32 to vector<16xi32>
    %and3A_147 = arith.andi %get3A_138, %and3A_146 : vector<16xi32>
    %shift_left3A_148 = arith.constant 7 : i32
    %shift_left3A_149 = vector.broadcast %shift_left3A_148 : i32 to vector<16xi32>
    %shift_left3A_150 = arith.shli %and3A_147, %shift_left3A_149 : vector<16xi32>
    %add3A_151 = arith.addi %shift_left3A_144, %shift_left3A_150 : vector<16xi32>
    %add3A_152 = vector.broadcast %add3A_135 : i32 to vector<16xi32>
    %add3A_153 = arith.addi %iota3A, %add3A_152 : vector<16xi32>
    %add3A_154 = arith.addi %add3A_151, %add3A_153 : vector<16xi32>
    %swap3A_155 = arith.constant 64 : index
    %swap3A_156 = tpu.vector_load %arg6[%swap3A_155] {strides = array<i32>} : memref<512xi32, #tpu.memory_space<vmem>>, vector<16xi32>,
    %swap3A_157 = vector.shape_cast %swap3A_156 : vector<16xi32> to vector<16xi32>
    %swap3A_158 = vector.shape_cast %add3A_154 : vector<16xi32> to vector<16xi32>
    tpu.vector_store %arg6[%swap3A_155], %swap3A_158 {strides = array<i32>} : memref<512xi32, #tpu.memory_space<vmem>>, vector<16xi32>,
    %add3A_159 = arith.constant 80 : i32
    %add3A_160 = arith.addi %mul3A_2, %add3A_159 : i32
    %shift_right_arithmetic3A_161 = arith.constant 7 : i32
    %shift_right_arithmetic3A_162 = arith.shrsi %add3A_160, %shift_right_arithmetic3A_161 : i32
    %shift_left3A_163 = arith.constant 10 : i32
    %shift_left3A_164 = arith.shli %shift_right_arithmetic3A_162, %shift_left3A_163 : i32
    %and3A_165 = arith.constant 127 : i32
    %and3A_166 = arith.andi %add3A_160, %and3A_165 : i32
    %add3A_167 = arith.addi %shift_left3A_164, %and3A_166 : i32
    %get3A_168 = arith.constant 80 : index
    %get3A_169 = tpu.vector_load %arg5[%get3A_168] {strides = array<i32>} : memref<512xi32, #tpu.memory_space<vmem>>, vector<16xi32>,
    %get3A_170 = vector.shape_cast %get3A_169 : vector<16xi32> to vector<16xi32>
    %shift_right_logical3A_171 = arith.constant 3 : i32
    %shift_right_logical3A_172 = vector.broadcast %shift_right_logical3A_171 : i32 to vector<16xi32>
    %shift_right_logical3A_173 = arith.shrui %get3A_170, %shift_right_logical3A_172 : vector<16xi32>
    %shift_left3A_174 = arith.constant 17 : i32
    %shift_left3A_175 = vector.broadcast %shift_left3A_174 : i32 to vector<16xi32>
    %shift_left3A_176 = arith.shli %shift_right_logical3A_173, %shift_left3A_175 : vector<16xi32>
    %and3A_177 = arith.constant 7 : i32
    %and3A_178 = vector.broadcast %and3A_177 : i32 to vector<16xi32>
    %and3A_179 = arith.andi %get3A_170, %and3A_178 : vector<16xi32>
    %shift_left3A_180 = arith.constant 7 : i32
    %shift_left3A_181 = vector.broadcast %shift_left3A_180 : i32 to vector<16xi32>
    %shift_left3A_182 = arith.shli %and3A_179, %shift_left3A_181 : vector<16xi32>
    %add3A_183 = arith.addi %shift_left3A_176, %shift_left3A_182 : vector<16xi32>
    %add3A_184 = vector.broadcast %add3A_167 : i32 to vector<16xi32>
    %add3A_185 = arith.addi %iota3A, %add3A_184 : vector<16xi32>
    %add3A_186 = arith.addi %add3A_183, %add3A_185 : vector<16xi32>
    %swap3A_187 = arith.constant 80 : index
    %swap3A_188 = tpu.vector_load %arg6[%swap3A_187] {strides = array<i32>} : memref<512xi32, #tpu.memory_space<vmem>>, vector<16xi32>,
    %swap3A_189 = vector.shape_cast %swap3A_188 : vector<16xi32> to vector<16xi32>
    %swap3A_190 = vector.shape_cast %add3A_186 : vector<16xi32> to vector<16xi32>
    tpu.vector_store %arg6[%swap3A_187], %swap3A_190 {strides = array<i32>} : memref<512xi32, #tpu.memory_space<vmem>>, vector<16xi32>,
    %add3A_191 = arith.constant 96 : i32
    %add3A_192 = arith.addi %mul3A_2, %add3A_191 : i32
    %shift_right_arithmetic3A_193 = arith.constant 7 : i32
    %shift_right_arithmetic3A_194 = arith.shrsi %add3A_192, %shift_right_arithmetic3A_193 : i32
    %shift_left3A_195 = arith.constant 10 : i32
    %shift_left3A_196 = arith.shli %shift_right_arithmetic3A_194, %shift_left3A_195 : i32
    %and3A_197 = arith.constant 127 : i32
    %and3A_198 = arith.andi %add3A_192, %and3A_197 : i32
    %add3A_199 = arith.addi %shift_left3A_196, %and3A_198 : i32
    %get3A_200 = arith.constant 96 : index
    %get3A_201 = tpu.vector_load %arg5[%get3A_200] {strides = array<i32>} : memref<512xi32, #tpu.memory_space<vmem>>, vector<16xi32>,
    %get3A_202 = vector.shape_cast %get3A_201 : vector<16xi32> to vector<16xi32>
    %shift_right_logical3A_203 = arith.constant 3 : i32
    %shift_right_logical3A_204 = vector.broadcast %shift_right_logical3A_203 : i32 to vector<16xi32>
    %shift_right_logical3A_205 = arith.shrui %get3A_202, %shift_right_logical3A_204 : vector<16xi32>
    %shift_left3A_206 = arith.constant 17 : i32
    %shift_left3A_207 = vector.broadcast %shift_left3A_206 : i32 to vector<16xi32>
    %shift_left3A_208 = arith.shli %shift_right_logical3A_205, %shift_left3A_207 : vector<16xi32>
    %and3A_209 = arith.constant 7 : i32
    %and3A_210 = vector.broadcast %and3A_209 : i32 to vector<16xi32>
    %and3A_211 = arith.andi %get3A_202, %and3A_210 : vector<16xi32>
    %shift_left3A_212 = arith.constant 7 : i32
    %shift_left3A_213 = vector.broadcast %shift_left3A_212 : i32 to vector<16xi32>
    %shift_left3A_214 = arith.shli %and3A_211, %shift_left3A_213 : vector<16xi32>
    %add3A_215 = arith.addi %shift_left3A_208, %shift_left3A_214 : vector<16xi32>
    %add3A_216 = vector.broadcast %add3A_199 : i32 to vector<16xi32>
    %add3A_217 = arith.addi %iota3A, %add3A_216 : vector<16xi32>
    %add3A_218 = arith.addi %add3A_215, %add3A_217 : vector<16xi32>
    %swap3A_219 = arith.constant 96 : index
    %swap3A_220 = tpu.vector_load %arg6[%swap3A_219] {strides = array<i32>} : memref<512xi32, #tpu.memory_space<vmem>>, vector<16xi32>,
    %swap3A_221 = vector.shape_cast %swap3A_220 : vector<16xi32> to vector<16xi32>
    %swap3A_222 = vector.shape_cast %add3A_218 : vector<16xi32> to vector<16xi32>
    tpu.vector_store %arg6[%swap3A_219], %swap3A_222 {strides = array<i32>} : memref<512xi32, #tpu.memory_space<vmem>>, vector<16xi32>,
    %add3A_223 = arith.constant 112 : i32
    %add3A_224 = arith.addi %mul3A_2, %add3A_223 : i32
    %shift_right_arithmetic3A_225 = arith.constant 7 : i32
    %shift_right_arithmetic3A_226 = arith.shrsi %add3A_224, %shift_right_arithmetic3A_225 : i32
    %shift_left3A_227 = arith.constant 10 : i32
    %shift_left3A_228 = arith.shli %shift_right_arithmetic3A_226, %shift_left3A_227 : i32
    %and3A_229 = arith.constant 127 : i32
    %and3A_230 = arith.andi %add3A_224, %and3A_229 : i32
    %add3A_231 = arith.addi %shift_left3A_228, %and3A_230 : i32
    %get3A_232 = arith.constant 112 : index
    %get3A_233 = tpu.vector_load %arg5[%get3A_232] {strides = array<i32>} : memref<512xi32, #tpu.memory_space<vmem>>, vector<16xi32>,
    %get3A_234 = vector.shape_cast %get3A_233 : vector<16xi32> to vector<16xi32>
    %shift_right_logical3A_235 = arith.constant 3 : i32
    %shift_right_logical3A_236 = vector.broadcast %shift_right_logical3A_235 : i32 to vector<16xi32>
    %shift_right_logical3A_237 = arith.shrui %get3A_234, %shift_right_logical3A_236 : vector<16xi32>
    %shift_left3A_238 = arith.constant 17 : i32
    %shift_left3A_239 = vector.broadcast %shift_left3A_238 : i32 to vector<16xi32>
    %shift_left3A_240 = arith.shli %shift_right_logical3A_237, %shift_left3A_239 : vector<16xi32>
    %and3A_241 = arith.constant 7 : i32
    %and3A_242 = vector.broadcast %and3A_241 : i32 to vector<16xi32>
    %and3A_243 = arith.andi %get3A_234, %and3A_242 : vector<16xi32>
    %shift_left3A_244 = arith.constant 7 : i32
    %shift_left3A_245 = vector.broadcast %shift_left3A_244 : i32 to vector<16xi32>
    %shift_left3A_246 = arith.shli %and3A_243, %shift_left3A_245 : vector<16xi32>
    %add3A_247 = arith.addi %shift_left3A_240, %shift_left3A_246 : vector<16xi32>
    %add3A_248 = vector.broadcast %add3A_231 : i32 to vector<16xi32>
    %add3A_249 = arith.addi %iota3A, %add3A_248 : vector<16xi32>
    %add3A_250 = arith.addi %add3A_247, %add3A_249 : vector<16xi32>
    %swap3A_251 = arith.constant 112 : index
    %swap3A_252 = tpu.vector_load %arg6[%swap3A_251] {strides = array<i32>} : memref<512xi32, #tpu.memory_space<vmem>>, vector<16xi32>,
    %swap3A_253 = vector.shape_cast %swap3A_252 : vector<16xi32> to vector<16xi32>
    %swap3A_254 = vector.shape_cast %add3A_250 : vector<16xi32> to vector<16xi32>
    tpu.vector_store %arg6[%swap3A_251], %swap3A_254 {strides = array<i32>} : memref<512xi32, #tpu.memory_space<vmem>>, vector<16xi32>,
    %dma_start3A_255 = arith.constant 0 : i32
    %dma_start3A_256 = arith.constant 0 : i32
    %dma_start3A_257 = tpu.memref_slice %arg7[%dma_start3A_256] : memref<512xf32, #tpu.memory_space<vmem>> -> memref<128xf32, #tpu.memory_space<vmem>>
    %dma_start3A_258 = arith.constant 0 : i32
    %dma_start3A_259 = tpu.memref_slice %arg6[%dma_start3A_258] : memref<512xi32, #tpu.memory_space<vmem>> -> memref<128xi32, #tpu.memory_space<vmem>>
    %dma_start3A_260 = arith.constant 0 : i32
    %dma_start3A_261 = tpu.memref_slice %arg2[%dma_start3A_260] : memref<16384000xf32, #tpu.memory_space<hbm>> -> memref<16384000xf32, #tpu.memory_space<hbm>>
    %dma_start3A_262 = tpu.memref_slice %arg9[%dma_start3A_255] : memref<4x!tpu.dma_semaphore, #tpu.memory_space<semaphore_mem>> -> memref<1x!tpu.dma_semaphore, #tpu.memory_space<semaphore_mem>>
    %dma_start3A_263 = tpu.memref_squeeze %dma_start3A_262 : memref<1x!tpu.dma_semaphore, #tpu.memory_space<semaphore_mem>> -> memref<!tpu.dma_semaphore, #tpu.memory_space<semaphore_mem>>
    tpu.enqueue_indirect_dma source(%dma_start3A_261 : memref<16384000xf32, #tpu.memory_space<hbm>>) target(%dma_start3A_257 : memref<128xf32, #tpu.memory_space<vmem>>) offsets(%dma_start3A_259 : memref<128xi32, #tpu.memory_space<vmem>>) semaphore(%dma_start3A_263 : memref<!tpu.dma_semaphore, #tpu.memory_space<semaphore_mem>>)
    %add3A_264 = arith.constant 128 : i32
    %add3A_265 = arith.addi %mul3A_2, %add3A_264 : i32
    %shift_right_arithmetic3A_266 = arith.constant 7 : i32
    %shift_right_arithmetic3A_267 = arith.shrsi %add3A_265, %shift_right_arithmetic3A_266 : i32
    %shift_left3A_268 = arith.constant 10 : i32
    %shift_left3A_269 = arith.shli %shift_right_arithmetic3A_267, %shift_left3A_268 : i32
    %and3A_270 = arith.constant 127 : i32
    %and3A_271 = arith.andi %add3A_265, %and3A_270 : i32
    %add3A_272 = arith.addi %shift_left3A_269, %and3A_271 : i32
    %get3A_273 = arith.constant 128 : index
    %get3A_274 = tpu.vector_load %arg5[%get3A_273] {strides = array<i32>} : memref<512xi32, #tpu.memory_space<vmem>>, vector<16xi32>,
    %get3A_275 = vector.shape_cast %get3A_274 : vector<16xi32> to vector<16xi32>
    %shift_right_logical3A_276 = arith.constant 3 : i32
    %shift_right_logical3A_277 = vector.broadcast %shift_right_logical3A_276 : i32 to vector<16xi32>
    %shift_right_logical3A_278 = arith.shrui %get3A_275, %shift_right_logical3A_277 : vector<16xi32>
    %shift_left3A_279 = arith.constant 17 : i32
    %shift_left3A_280 = vector.broadcast %shift_left3A_279 : i32 to vector<16xi32>
    %shift_left3A_281 = arith.shli %shift_right_logical3A_278, %shift_left3A_280 : vector<16xi32>
    %and3A_282 = arith.constant 7 : i32
    %and3A_283 = vector.broadcast %and3A_282 : i32 to vector<16xi32>
    %and3A_284 = arith.andi %get3A_275, %and3A_283 : vector<16xi32>
    %shift_left3A_285 = arith.constant 7 : i32
    %shift_left3A_286 = vector.broadcast %shift_left3A_285 : i32 to vector<16xi32>
    %shift_left3A_287 = arith.shli %and3A_284, %shift_left3A_286 : vector<16xi32>
    %add3A_288 = arith.addi %shift_left3A_281, %shift_left3A_287 : vector<16xi32>
    %add3A_289 = vector.broadcast %add3A_272 : i32 to vector<16xi32>
    %add3A_290 = arith.addi %iota3A, %add3A_289 : vector<16xi32>
    %add3A_291 = arith.addi %add3A_288, %add3A_290 : vector<16xi32>
    %swap3A_292 = arith.constant 128 : index
    %swap3A_293 = tpu.vector_load %arg6[%swap3A_292] {strides = array<i32>} : memref<512xi32, #tpu.memory_space<vmem>>, vector<16xi32>,
    %swap3A_294 = vector.shape_cast %swap3A_293 : vector<16xi32> to vector<16xi32>
    %swap3A_295 = vector.shape_cast %add3A_291 : vector<16xi32> to vector<16xi32>
    tpu.vector_store %arg6[%swap3A_292], %swap3A_295 {strides = array<i32>} : memref<512xi32, #tpu.memory_space<vmem>>, vector<16xi32>,
    %add3A_296 = arith.constant 144 : i32
    %add3A_297 = arith.addi %mul3A_2, %add3A_296 : i32
    %shift_right_arithmetic3A_298 = arith.constant 7 : i32
    %shift_right_arithmetic3A_299 = arith.shrsi %add3A_297, %shift_right_arithmetic3A_298 : i32
    %shift_left3A_300 = arith.constant 10 : i32
    %shift_left3A_301 = arith.shli %shift_right_arithmetic3A_299, %shift_left3A_300 : i32
    %and3A_302 = arith.constant 127 : i32
    %and3A_303 = arith.andi %add3A_297, %and3A_302 : i32
    %add3A_304 = arith.addi %shift_left3A_301, %and3A_303 : i32
    %get3A_305 = arith.constant 144 : index
    %get3A_306 = tpu.vector_load %arg5[%get3A_305] {strides = array<i32>} : memref<512xi32, #tpu.memory_space<vmem>>, vector<16xi32>,
    %get3A_307 = vector.shape_cast %get3A_306 : vector<16xi32> to vector<16xi32>
    %shift_right_logical3A_308 = arith.constant 3 : i32
    %shift_right_logical3A_309 = vector.broadcast %shift_right_logical3A_308 : i32 to vector<16xi32>
    %shift_right_logical3A_310 = arith.shrui %get3A_307, %shift_right_logical3A_309 : vector<16xi32>
    %shift_left3A_311 = arith.constant 17 : i32
    %shift_left3A_312 = vector.broadcast %shift_left3A_311 : i32 to vector<16xi32>
    %shift_left3A_313 = arith.shli %shift_right_logical3A_310, %shift_left3A_312 : vector<16xi32>
    %and3A_314 = arith.constant 7 : i32
    %and3A_315 = vector.broadcast %and3A_314 : i32 to vector<16xi32>
    %and3A_316 = arith.andi %get3A_307, %and3A_315 : vector<16xi32>
    %shift_left3A_317 = arith.constant 7 : i32
    %shift_left3A_318 = vector.broadcast %shift_left3A_317 : i32 to vector<16xi32>
    %shift_left3A_319 = arith.shli %and3A_316, %shift_left3A_318 : vector<16xi32>
    %add3A_320 = arith.addi %shift_left3A_313, %shift_left3A_319 : vector<16xi32>
    %add3A_321 = vector.broadcast %add3A_304 : i32 to vector<16xi32>
    %add3A_322 = arith.addi %iota3A, %add3A_321 : vector<16xi32>
    %add3A_323 = arith.addi %add3A_320, %add3A_322 : vector<16xi32>
    %swap3A_324 = arith.constant 144 : index
    %swap3A_325 = tpu.vector_load %arg6[%swap3A_324] {strides = array<i32>} : memref<512xi32, #tpu.memory_space<vmem>>, vector<16xi32>,
    %swap3A_326 = vector.shape_cast %swap3A_325 : vector<16xi32> to vector<16xi32>
    %swap3A_327 = vector.shape_cast %add3A_323 : vector<16xi32> to vector<16xi32>
    tpu.vector_store %arg6[%swap3A_324], %swap3A_327 {strides = array<i32>} : memref<512xi32, #tpu.memory_space<vmem>>, vector<16xi32>,
    %add3A_328 = arith.constant 160 : i32
    %add3A_329 = arith.addi %mul3A_2, %add3A_328 : i32
    %shift_right_arithmetic3A_330 = arith.constant 7 : i32
    %shift_right_arithmetic3A_331 = arith.shrsi %add3A_329, %shift_right_arithmetic3A_330 : i32
    %shift_left3A_332 = arith.constant 10 : i32
    %shift_left3A_333 = arith.shli %shift_right_arithmetic3A_331, %shift_left3A_332 : i32
    %and3A_334 = arith.constant 127 : i32
    %and3A_335 = arith.andi %add3A_329, %and3A_334 : i32
    %add3A_336 = arith.addi %shift_left3A_333, %and3A_335 : i32
    %get3A_337 = arith.constant 160 : index
    %get3A_338 = tpu.vector_load %arg5[%get3A_337] {strides = array<i32>} : memref<512xi32, #tpu.memory_space<vmem>>, vector<16xi32>,
    %get3A_339 = vector.shape_cast %get3A_338 : vector<16xi32> to vector<16xi32>
    %shift_right_logical3A_340 = arith.constant 3 : i32
    %shift_right_logical3A_341 = vector.broadcast %shift_right_logical3A_340 : i32 to vector<16xi32>
    %shift_right_logical3A_342 = arith.shrui %get3A_339, %shift_right_logical3A_341 : vector<16xi32>
    %shift_left3A_343 = arith.constant 17 : i32
    %shift_left3A_344 = vector.broadcast %shift_left3A_343 : i32 to vector<16xi32>
    %shift_left3A_345 = arith.shli %shift_right_logical3A_342, %shift_left3A_344 : vector<16xi32>
    %and3A_346 = arith.constant 7 : i32
    %and3A_347 = vector.broadcast %and3A_346 : i32 to vector<16xi32>
    %and3A_348 = arith.andi %get3A_339, %and3A_347 : vector<16xi32>
    %shift_left3A_349 = arith.constant 7 : i32
    %shift_left3A_350 = vector.broadcast %shift_left3A_349 : i32 to vector<16xi32>
    %shift_left3A_351 = arith.shli %and3A_348, %shift_left3A_350 : vector<16xi32>
    %add3A_352 = arith.addi %shift_left3A_345, %shift_left3A_351 : vector<16xi32>
    %add3A_353 = vector.broadcast %add3A_336 : i32 to vector<16xi32>
    %add3A_354 = arith.addi %iota3A, %add3A_353 : vector<16xi32>
    %add3A_355 = arith.addi %add3A_352, %add3A_354 : vector<16xi32>
    %swap3A_356 = arith.constant 160 : index
    %swap3A_357 = tpu.vector_load %arg6[%swap3A_356] {strides = array<i32>} : memref<512xi32, #tpu.memory_space<vmem>>, vector<16xi32>,
    %swap3A_358 = vector.shape_cast %swap3A_357 : vector<16xi32> to vector<16xi32>
    %swap3A_359 = vector.shape_cast %add3A_355 : vector<16xi32> to vector<16xi32>
    tpu.vector_store %arg6[%swap3A_356], %swap3A_359 {strides = array<i32>} : memref<512xi32, #tpu.memory_space<vmem>>, vector<16xi32>,
    %add3A_360 = arith.constant 176 : i32
    %add3A_361 = arith.addi %mul3A_2, %add3A_360 : i32
    %shift_right_arithmetic3A_362 = arith.constant 7 : i32
    %shift_right_arithmetic3A_363 = arith.shrsi %add3A_361, %shift_right_arithmetic3A_362 : i32
    %shift_left3A_364 = arith.constant 10 : i32
    %shift_left3A_365 = arith.shli %shift_right_arithmetic3A_363, %shift_left3A_364 : i32
    %and3A_366 = arith.constant 127 : i32
    %and3A_367 = arith.andi %add3A_361, %and3A_366 : i32
    %add3A_368 = arith.addi %shift_left3A_365, %and3A_367 : i32
    %get3A_369 = arith.constant 176 : index
    %get3A_370 = tpu.vector_load %arg5[%get3A_369] {strides = array<i32>} : memref<512xi32, #tpu.memory_space<vmem>>, vector<16xi32>,
    %get3A_371 = vector.shape_cast %get3A_370 : vector<16xi32> to vector<16xi32>
    %shift_right_logical3A_372 = arith.constant 3 : i32
    %shift_right_logical3A_373 = vector.broadcast %shift_right_logical3A_372 : i32 to vector<16xi32>
    %shift_right_logical3A_374 = arith.shrui %get3A_371, %shift_right_logical3A_373 : vector<16xi32>
    %shift_left3A_375 = arith.constant 17 : i32
    %shift_left3A_376 = vector.broadcast %shift_left3A_375 : i32 to vector<16xi32>
    %shift_left3A_377 = arith.shli %shift_right_logical3A_374, %shift_left3A_376 : vector<16xi32>
    %and3A_378 = arith.constant 7 : i32
    %and3A_379 = vector.broadcast %and3A_378 : i32 to vector<16xi32>
    %and3A_380 = arith.andi %get3A_371, %and3A_379 : vector<16xi32>
    %shift_left3A_381 = arith.constant 7 : i32
    %shift_left3A_382 = vector.broadcast %shift_left3A_381 : i32 to vector<16xi32>
    %shift_left3A_383 = arith.shli %and3A_380, %shift_left3A_382 : vector<16xi32>
    %add3A_384 = arith.addi %shift_left3A_377, %shift_left3A_383 : vector<16xi32>
    %add3A_385 = vector.broadcast %add3A_368 : i32 to vector<16xi32>
    %add3A_386 = arith.addi %iota3A, %add3A_385 : vector<16xi32>
    %add3A_387 = arith.addi %add3A_384, %add3A_386 : vector<16xi32>
    %swap3A_388 = arith.constant 176 : index
    %swap3A_389 = tpu.vector_load %arg6[%swap3A_388] {strides = array<i32>} : memref<512xi32, #tpu.memory_space<vmem>>, vector<16xi32>,
    %swap3A_390 = vector.shape_cast %swap3A_389 : vector<16xi32> to vector<16xi32>
    %swap3A_391 = vector.shape_cast %add3A_387 : vector<16xi32> to vector<16xi32>
    tpu.vector_store %arg6[%swap3A_388], %swap3A_391 {strides = array<i32>} : memref<512xi32, #tpu.memory_space<vmem>>, vector<16xi32>,
    %add3A_392 = arith.constant 192 : i32
    %add3A_393 = arith.addi %mul3A_2, %add3A_392 : i32
    %shift_right_arithmetic3A_394 = arith.constant 7 : i32
    %shift_right_arithmetic3A_395 = arith.shrsi %add3A_393, %shift_right_arithmetic3A_394 : i32
    %shift_left3A_396 = arith.constant 10 : i32
    %shift_left3A_397 = arith.shli %shift_right_arithmetic3A_395, %shift_left3A_396 : i32
    %and3A_398 = arith.constant 127 : i32
    %and3A_399 = arith.andi %add3A_393, %and3A_398 : i32
    %add3A_400 = arith.addi %shift_left3A_397, %and3A_399 : i32
    %get3A_401 = arith.constant 192 : index
    %get3A_402 = tpu.vector_load %arg5[%get3A_401] {strides = array<i32>} : memref<512xi32, #tpu.memory_space<vmem>>, vector<16xi32>,
    %get3A_403 = vector.shape_cast %get3A_402 : vector<16xi32> to vector<16xi32>
    %shift_right_logical3A_404 = arith.constant 3 : i32
    %shift_right_logical3A_405 = vector.broadcast %shift_right_logical3A_404 : i32 to vector<16xi32>
    %shift_right_logical3A_406 = arith.shrui %get3A_403, %shift_right_logical3A_405 : vector<16xi32>
    %shift_left3A_407 = arith.constant 17 : i32
    %shift_left3A_408 = vector.broadcast %shift_left3A_407 : i32 to vector<16xi32>
    %shift_left3A_409 = arith.shli %shift_right_logical3A_406, %shift_left3A_408 : vector<16xi32>
    %and3A_410 = arith.constant 7 : i32
    %and3A_411 = vector.broadcast %and3A_410 : i32 to vector<16xi32>
    %and3A_412 = arith.andi %get3A_403, %and3A_411 : vector<16xi32>
    %shift_left3A_413 = arith.constant 7 : i32
    %shift_left3A_414 = vector.broadcast %shift_left3A_413 : i32 to vector<16xi32>
    %shift_left3A_415 = arith.shli %and3A_412, %shift_left3A_414 : vector<16xi32>
    %add3A_416 = arith.addi %shift_left3A_409, %shift_left3A_415 : vector<16xi32>
    %add3A_417 = vector.broadcast %add3A_400 : i32 to vector<16xi32>
    %add3A_418 = arith.addi %iota3A, %add3A_417 : vector<16xi32>
    %add3A_419 = arith.addi %add3A_416, %add3A_418 : vector<16xi32>
    %swap3A_420 = arith.constant 192 : index
    %swap3A_421 = tpu.vector_load %arg6[%swap3A_420] {strides = array<i32>} : memref<512xi32, #tpu.memory_space<vmem>>, vector<16xi32>,
    %swap3A_422 = vector.shape_cast %swap3A_421 : vector<16xi32> to vector<16xi32>
    %swap3A_423 = vector.shape_cast %add3A_419 : vector<16xi32> to vector<16xi32>
    tpu.vector_store %arg6[%swap3A_420], %swap3A_423 {strides = array<i32>} : memref<512xi32, #tpu.memory_space<vmem>>, vector<16xi32>,
    %add3A_424 = arith.constant 208 : i32
    %add3A_425 = arith.addi %mul3A_2, %add3A_424 : i32
    %shift_right_arithmetic3A_426 = arith.constant 7 : i32
    %shift_right_arithmetic3A_427 = arith.shrsi %add3A_425, %shift_right_arithmetic3A_426 : i32
    %shift_left3A_428 = arith.constant 10 : i32
    %shift_left3A_429 = arith.shli %shift_right_arithmetic3A_427, %shift_left3A_428 : i32
    %and3A_430 = arith.constant 127 : i32
    %and3A_431 = arith.andi %add3A_425, %and3A_430 : i32
    %add3A_432 = arith.addi %shift_left3A_429, %and3A_431 : i32
    %get3A_433 = arith.constant 208 : index
    %get3A_434 = tpu.vector_load %arg5[%get3A_433] {strides = array<i32>} : memref<512xi32, #tpu.memory_space<vmem>>, vector<16xi32>,
    %get3A_435 = vector.shape_cast %get3A_434 : vector<16xi32> to vector<16xi32>
    %shift_right_logical3A_436 = arith.constant 3 : i32
    %shift_right_logical3A_437 = vector.broadcast %shift_right_logical3A_436 : i32 to vector<16xi32>
    %shift_right_logical3A_438 = arith.shrui %get3A_435, %shift_right_logical3A_437 : vector<16xi32>
    %shift_left3A_439 = arith.constant 17 : i32
    %shift_left3A_440 = vector.broadcast %shift_left3A_439 : i32 to vector<16xi32>
    %shift_left3A_441 = arith.shli %shift_right_logical3A_438, %shift_left3A_440 : vector<16xi32>
    %and3A_442 = arith.constant 7 : i32
    %and3A_443 = vector.broadcast %and3A_442 : i32 to vector<16xi32>
    %and3A_444 = arith.andi %get3A_435, %and3A_443 : vector<16xi32>
    %shift_left3A_445 = arith.constant 7 : i32
    %shift_left3A_446 = vector.broadcast %shift_left3A_445 : i32 to vector<16xi32>
    %shift_left3A_447 = arith.shli %and3A_444, %shift_left3A_446 : vector<16xi32>
    %add3A_448 = arith.addi %shift_left3A_441, %shift_left3A_447 : vector<16xi32>
    %add3A_449 = vector.broadcast %add3A_432 : i32 to vector<16xi32>
    %add3A_450 = arith.addi %iota3A, %add3A_449 : vector<16xi32>
    %add3A_451 = arith.addi %add3A_448, %add3A_450 : vector<16xi32>
    %swap3A_452 = arith.constant 208 : index
    %swap3A_453 = tpu.vector_load %arg6[%swap3A_452] {strides = array<i32>} : memref<512xi32, #tpu.memory_space<vmem>>, vector<16xi32>,
    %swap3A_454 = vector.shape_cast %swap3A_453 : vector<16xi32> to vector<16xi32>
    %swap3A_455 = vector.shape_cast %add3A_451 : vector<16xi32> to vector<16xi32>
    tpu.vector_store %arg6[%swap3A_452], %swap3A_455 {strides = array<i32>} : memref<512xi32, #tpu.memory_space<vmem>>, vector<16xi32>,
    %add3A_456 = arith.constant 224 : i32
    %add3A_457 = arith.addi %mul3A_2, %add3A_456 : i32
    %shift_right_arithmetic3A_458 = arith.constant 7 : i32
    %shift_right_arithmetic3A_459 = arith.shrsi %add3A_457, %shift_right_arithmetic3A_458 : i32
    %shift_left3A_460 = arith.constant 10 : i32
    %shift_left3A_461 = arith.shli %shift_right_arithmetic3A_459, %shift_left3A_460 : i32
    %and3A_462 = arith.constant 127 : i32
    %and3A_463 = arith.andi %add3A_457, %and3A_462 : i32
    %add3A_464 = arith.addi %shift_left3A_461, %and3A_463 : i32
    %get3A_465 = arith.constant 224 : index
    %get3A_466 = tpu.vector_load %arg5[%get3A_465] {strides = array<i32>} : memref<512xi32, #tpu.memory_space<vmem>>, vector<16xi32>,
    %get3A_467 = vector.shape_cast %get3A_466 : vector<16xi32> to vector<16xi32>
    %shift_right_logical3A_468 = arith.constant 3 : i32
    %shift_right_logical3A_469 = vector.broadcast %shift_right_logical3A_468 : i32 to vector<16xi32>
    %shift_right_logical3A_470 = arith.shrui %get3A_467, %shift_right_logical3A_469 : vector<16xi32>
    %shift_left3A_471 = arith.constant 17 : i32
    %shift_left3A_472 = vector.broadcast %shift_left3A_471 : i32 to vector<16xi32>
    %shift_left3A_473 = arith.shli %shift_right_logical3A_470, %shift_left3A_472 : vector<16xi32>
    %and3A_474 = arith.constant 7 : i32
    %and3A_475 = vector.broadcast %and3A_474 : i32 to vector<16xi32>
    %and3A_476 = arith.andi %get3A_467, %and3A_475 : vector<16xi32>
    %shift_left3A_477 = arith.constant 7 : i32
    %shift_left3A_478 = vector.broadcast %shift_left3A_477 : i32 to vector<16xi32>
    %shift_left3A_479 = arith.shli %and3A_476, %shift_left3A_478 : vector<16xi32>
    %add3A_480 = arith.addi %shift_left3A_473, %shift_left3A_479 : vector<16xi32>
    %add3A_481 = vector.broadcast %add3A_464 : i32 to vector<16xi32>
    %add3A_482 = arith.addi %iota3A, %add3A_481 : vector<16xi32>
    %add3A_483 = arith.addi %add3A_480, %add3A_482 : vector<16xi32>
    %swap3A_484 = arith.constant 224 : index
    %swap3A_485 = tpu.vector_load %arg6[%swap3A_484] {strides = array<i32>} : memref<512xi32, #tpu.memory_space<vmem>>, vector<16xi32>,
    %swap3A_486 = vector.shape_cast %swap3A_485 : vector<16xi32> to vector<16xi32>
    %swap3A_487 = vector.shape_cast %add3A_483 : vector<16xi32> to vector<16xi32>
    tpu.vector_store %arg6[%swap3A_484], %swap3A_487 {strides = array<i32>} : memref<512xi32, #tpu.memory_space<vmem>>, vector<16xi32>,
    %add3A_488 = arith.constant 240 : i32
    %add3A_489 = arith.addi %mul3A_2, %add3A_488 : i32
    %shift_right_arithmetic3A_490 = arith.constant 7 : i32
    %shift_right_arithmetic3A_491 = arith.shrsi %add3A_489, %shift_right_arithmetic3A_490 : i32
    %shift_left3A_492 = arith.constant 10 : i32
    %shift_left3A_493 = arith.shli %shift_right_arithmetic3A_491, %shift_left3A_492 : i32
    %and3A_494 = arith.constant 127 : i32
    %and3A_495 = arith.andi %add3A_489, %and3A_494 : i32
    %add3A_496 = arith.addi %shift_left3A_493, %and3A_495 : i32
    %get3A_497 = arith.constant 240 : index
    %get3A_498 = tpu.vector_load %arg5[%get3A_497] {strides = array<i32>} : memref<512xi32, #tpu.memory_space<vmem>>, vector<16xi32>,
    %get3A_499 = vector.shape_cast %get3A_498 : vector<16xi32> to vector<16xi32>
    %shift_right_logical3A_500 = arith.constant 3 : i32
    %shift_right_logical3A_501 = vector.broadcast %shift_right_logical3A_500 : i32 to vector<16xi32>
    %shift_right_logical3A_502 = arith.shrui %get3A_499, %shift_right_logical3A_501 : vector<16xi32>
    %shift_left3A_503 = arith.constant 17 : i32
    %shift_left3A_504 = vector.broadcast %shift_left3A_503 : i32 to vector<16xi32>
    %shift_left3A_505 = arith.shli %shift_right_logical3A_502, %shift_left3A_504 : vector<16xi32>
    %and3A_506 = arith.constant 7 : i32
    %and3A_507 = vector.broadcast %and3A_506 : i32 to vector<16xi32>
    %and3A_508 = arith.andi %get3A_499, %and3A_507 : vector<16xi32>
    %shift_left3A_509 = arith.constant 7 : i32
    %shift_left3A_510 = vector.broadcast %shift_left3A_509 : i32 to vector<16xi32>
    %shift_left3A_511 = arith.shli %and3A_508, %shift_left3A_510 : vector<16xi32>
    %add3A_512 = arith.addi %shift_left3A_505, %shift_left3A_511 : vector<16xi32>
    %add3A_513 = vector.broadcast %add3A_496 : i32 to vector<16xi32>
    %add3A_514 = arith.addi %iota3A, %add3A_513 : vector<16xi32>
    %add3A_515 = arith.addi %add3A_512, %add3A_514 : vector<16xi32>
    %swap3A_516 = arith.constant 240 : index
    %swap3A_517 = tpu.vector_load %arg6[%swap3A_516] {strides = array<i32>} : memref<512xi32, #tpu.memory_space<vmem>>, vector<16xi32>,
    %swap3A_518 = vector.shape_cast %swap3A_517 : vector<16xi32> to vector<16xi32>
    %swap3A_519 = vector.shape_cast %add3A_515 : vector<16xi32> to vector<16xi32>
    tpu.vector_store %arg6[%swap3A_516], %swap3A_519 {strides = array<i32>} : memref<512xi32, #tpu.memory_space<vmem>>, vector<16xi32>,
    %dma_start3A_520 = arith.constant 1 : i32
    %dma_start3A_521 = arith.constant 128 : i32
    %dma_start3A_522 = tpu.memref_slice %arg7[%dma_start3A_521] : memref<512xf32, #tpu.memory_space<vmem>> -> memref<128xf32, #tpu.memory_space<vmem>>
    %dma_start3A_523 = arith.constant 128 : i32
    %dma_start3A_524 = tpu.memref_slice %arg6[%dma_start3A_523] : memref<512xi32, #tpu.memory_space<vmem>> -> memref<128xi32, #tpu.memory_space<vmem>>
    %dma_start3A_525 = arith.constant 0 : i32
    %dma_start3A_526 = tpu.memref_slice %arg2[%dma_start3A_525] : memref<16384000xf32, #tpu.memory_space<hbm>> -> memref<16384000xf32, #tpu.memory_space<hbm>>
    %dma_start3A_527 = tpu.memref_slice %arg9[%dma_start3A_520] : memref<4x!tpu.dma_semaphore, #tpu.memory_space<semaphore_mem>> -> memref<1x!tpu.dma_semaphore, #tpu.memory_space<semaphore_mem>>
    %dma_start3A_528 = tpu.memref_squeeze %dma_start3A_527 : memref<1x!tpu.dma_semaphore, #tpu.memory_space<semaphore_mem>> -> memref<!tpu.dma_semaphore, #tpu.memory_space<semaphore_mem>>
    tpu.enqueue_indirect_dma source(%dma_start3A_526 : memref<16384000xf32, #tpu.memory_space<hbm>>) target(%dma_start3A_522 : memref<128xf32, #tpu.memory_space<vmem>>) offsets(%dma_start3A_524 : memref<128xi32, #tpu.memory_space<vmem>>) semaphore(%dma_start3A_528 : memref<!tpu.dma_semaphore, #tpu.memory_space<semaphore_mem>>)
    %add3A_529 = arith.constant 256 : i32
    %add3A_530 = arith.addi %mul3A_2, %add3A_529 : i32
    %shift_right_arithmetic3A_531 = arith.constant 7 : i32
    %shift_right_arithmetic3A_532 = arith.shrsi %add3A_530, %shift_right_arithmetic3A_531 : i32
    %shift_left3A_533 = arith.constant 10 : i32
    %shift_left3A_534 = arith.shli %shift_right_arithmetic3A_532, %shift_left3A_533 : i32
    %and3A_535 = arith.constant 127 : i32
    %and3A_536 = arith.andi %add3A_530, %and3A_535 : i32
    %add3A_537 = arith.addi %shift_left3A_534, %and3A_536 : i32
    %get3A_538 = arith.constant 256 : index
    %get3A_539 = tpu.vector_load %arg5[%get3A_538] {strides = array<i32>} : memref<512xi32, #tpu.memory_space<vmem>>, vector<16xi32>,
    %get3A_540 = vector.shape_cast %get3A_539 : vector<16xi32> to vector<16xi32>
    %shift_right_logical3A_541 = arith.constant 3 : i32
    %shift_right_logical3A_542 = vector.broadcast %shift_right_logical3A_541 : i32 to vector<16xi32>
    %shift_right_logical3A_543 = arith.shrui %get3A_540, %shift_right_logical3A_542 : vector<16xi32>
    %shift_left3A_544 = arith.constant 17 : i32
    %shift_left3A_545 = vector.broadcast %shift_left3A_544 : i32 to vector<16xi32>
    %shift_left3A_546 = arith.shli %shift_right_logical3A_543, %shift_left3A_545 : vector<16xi32>
    %and3A_547 = arith.constant 7 : i32
    %and3A_548 = vector.broadcast %and3A_547 : i32 to vector<16xi32>
    %and3A_549 = arith.andi %get3A_540, %and3A_548 : vector<16xi32>
    %shift_left3A_550 = arith.constant 7 : i32
    %shift_left3A_551 = vector.broadcast %shift_left3A_550 : i32 to vector<16xi32>
    %shift_left3A_552 = arith.shli %and3A_549, %shift_left3A_551 : vector<16xi32>
    %add3A_553 = arith.addi %shift_left3A_546, %shift_left3A_552 : vector<16xi32>
    %add3A_554 = vector.broadcast %add3A_537 : i32 to vector<16xi32>
    %add3A_555 = arith.addi %iota3A, %add3A_554 : vector<16xi32>
    %add3A_556 = arith.addi %add3A_553, %add3A_555 : vector<16xi32>
    %swap3A_557 = arith.constant 256 : index
    %swap3A_558 = tpu.vector_load %arg6[%swap3A_557] {strides = array<i32>} : memref<512xi32, #tpu.memory_space<vmem>>, vector<16xi32>,
    %swap3A_559 = vector.shape_cast %swap3A_558 : vector<16xi32> to vector<16xi32>
    %swap3A_560 = vector.shape_cast %add3A_556 : vector<16xi32> to vector<16xi32>
    tpu.vector_store %arg6[%swap3A_557], %swap3A_560 {strides = array<i32>} : memref<512xi32, #tpu.memory_space<vmem>>, vector<16xi32>,
    %add3A_561 = arith.constant 272 : i32
    %add3A_562 = arith.addi %mul3A_2, %add3A_561 : i32
    %shift_right_arithmetic3A_563 = arith.constant 7 : i32
    %shift_right_arithmetic3A_564 = arith.shrsi %add3A_562, %shift_right_arithmetic3A_563 : i32
    %shift_left3A_565 = arith.constant 10 : i32
    %shift_left3A_566 = arith.shli %shift_right_arithmetic3A_564, %shift_left3A_565 : i32
    %and3A_567 = arith.constant 127 : i32
    %and3A_568 = arith.andi %add3A_562, %and3A_567 : i32
    %add3A_569 = arith.addi %shift_left3A_566, %and3A_568 : i32
    %get3A_570 = arith.constant 272 : index
    %get3A_571 = tpu.vector_load %arg5[%get3A_570] {strides = array<i32>} : memref<512xi32, #tpu.memory_space<vmem>>, vector<16xi32>,
    %get3A_572 = vector.shape_cast %get3A_571 : vector<16xi32> to vector<16xi32>
    %shift_right_logical3A_573 = arith.constant 3 : i32
    %shift_right_logical3A_574 = vector.broadcast %shift_right_logical3A_573 : i32 to vector<16xi32>
    %shift_right_logical3A_575 = arith.shrui %get3A_572, %shift_right_logical3A_574 : vector<16xi32>
    %shift_left3A_576 = arith.constant 17 : i32
    %shift_left3A_577 = vector.broadcast %shift_left3A_576 : i32 to vector<16xi32>
    %shift_left3A_578 = arith.shli %shift_right_logical3A_575, %shift_left3A_577 : vector<16xi32>
    %and3A_579 = arith.constant 7 : i32
    %and3A_580 = vector.broadcast %and3A_579 : i32 to vector<16xi32>
    %and3A_581 = arith.andi %get3A_572, %and3A_580 : vector<16xi32>
    %shift_left3A_582 = arith.constant 7 : i32
    %shift_left3A_583 = vector.broadcast %shift_left3A_582 : i32 to vector<16xi32>
    %shift_left3A_584 = arith.shli %and3A_581, %shift_left3A_583 : vector<16xi32>
    %add3A_585 = arith.addi %shift_left3A_578, %shift_left3A_584 : vector<16xi32>
    %add3A_586 = vector.broadcast %add3A_569 : i32 to vector<16xi32>
    %add3A_587 = arith.addi %iota3A, %add3A_586 : vector<16xi32>
    %add3A_588 = arith.addi %add3A_585, %add3A_587 : vector<16xi32>
    %swap3A_589 = arith.constant 272 : index
    %swap3A_590 = tpu.vector_load %arg6[%swap3A_589] {strides = array<i32>} : memref<512xi32, #tpu.memory_space<vmem>>, vector<16xi32>,
    %swap3A_591 = vector.shape_cast %swap3A_590 : vector<16xi32> to vector<16xi32>
    %swap3A_592 = vector.shape_cast %add3A_588 : vector<16xi32> to vector<16xi32>
    tpu.vector_store %arg6[%swap3A_589], %swap3A_592 {strides = array<i32>} : memref<512xi32, #tpu.memory_space<vmem>>, vector<16xi32>,
    %add3A_593 = arith.constant 288 : i32
    %add3A_594 = arith.addi %mul3A_2, %add3A_593 : i32
    %shift_right_arithmetic3A_595 = arith.constant 7 : i32
    %shift_right_arithmetic3A_596 = arith.shrsi %add3A_594, %shift_right_arithmetic3A_595 : i32
    %shift_left3A_597 = arith.constant 10 : i32
    %shift_left3A_598 = arith.shli %shift_right_arithmetic3A_596, %shift_left3A_597 : i32
    %and3A_599 = arith.constant 127 : i32
    %and3A_600 = arith.andi %add3A_594, %and3A_599 : i32
    %add3A_601 = arith.addi %shift_left3A_598, %and3A_600 : i32
    %get3A_602 = arith.constant 288 : index
    %get3A_603 = tpu.vector_load %arg5[%get3A_602] {strides = array<i32>} : memref<512xi32, #tpu.memory_space<vmem>>, vector<16xi32>,
    %get3A_604 = vector.shape_cast %get3A_603 : vector<16xi32> to vector<16xi32>
    %shift_right_logical3A_605 = arith.constant 3 : i32
    %shift_right_logical3A_606 = vector.broadcast %shift_right_logical3A_605 : i32 to vector<16xi32>
    %shift_right_logical3A_607 = arith.shrui %get3A_604, %shift_right_logical3A_606 : vector<16xi32>
    %shift_left3A_608 = arith.constant 17 : i32
    %shift_left3A_609 = vector.broadcast %shift_left3A_608 : i32 to vector<16xi32>
    %shift_left3A_610 = arith.shli %shift_right_logical3A_607, %shift_left3A_609 : vector<16xi32>
    %and3A_611 = arith.constant 7 : i32
    %and3A_612 = vector.broadcast %and3A_611 : i32 to vector<16xi32>
    %and3A_613 = arith.andi %get3A_604, %and3A_612 : vector<16xi32>
    %shift_left3A_614 = arith.constant 7 : i32
    %shift_left3A_615 = vector.broadcast %shift_left3A_614 : i32 to vector<16xi32>
    %shift_left3A_616 = arith.shli %and3A_613, %shift_left3A_615 : vector<16xi32>
    %add3A_617 = arith.addi %shift_left3A_610, %shift_left3A_616 : vector<16xi32>
    %add3A_618 = vector.broadcast %add3A_601 : i32 to vector<16xi32>
    %add3A_619 = arith.addi %iota3A, %add3A_618 : vector<16xi32>
    %add3A_620 = arith.addi %add3A_617, %add3A_619 : vector<16xi32>
    %swap3A_621 = arith.constant 288 : index
    %swap3A_622 = tpu.vector_load %arg6[%swap3A_621] {strides = array<i32>} : memref<512xi32, #tpu.memory_space<vmem>>, vector<16xi32>,
    %swap3A_623 = vector.shape_cast %swap3A_622 : vector<16xi32> to vector<16xi32>
    %swap3A_624 = vector.shape_cast %add3A_620 : vector<16xi32> to vector<16xi32>
    tpu.vector_store %arg6[%swap3A_621], %swap3A_624 {strides = array<i32>} : memref<512xi32, #tpu.memory_space<vmem>>, vector<16xi32>,
    %add3A_625 = arith.constant 304 : i32
    %add3A_626 = arith.addi %mul3A_2, %add3A_625 : i32
    %shift_right_arithmetic3A_627 = arith.constant 7 : i32
    %shift_right_arithmetic3A_628 = arith.shrsi %add3A_626, %shift_right_arithmetic3A_627 : i32
    %shift_left3A_629 = arith.constant 10 : i32
    %shift_left3A_630 = arith.shli %shift_right_arithmetic3A_628, %shift_left3A_629 : i32
    %and3A_631 = arith.constant 127 : i32
    %and3A_632 = arith.andi %add3A_626, %and3A_631 : i32
    %add3A_633 = arith.addi %shift_left3A_630, %and3A_632 : i32
    %get3A_634 = arith.constant 304 : index
    %get3A_635 = tpu.vector_load %arg5[%get3A_634] {strides = array<i32>} : memref<512xi32, #tpu.memory_space<vmem>>, vector<16xi32>,
    %get3A_636 = vector.shape_cast %get3A_635 : vector<16xi32> to vector<16xi32>
    %shift_right_logical3A_637 = arith.constant 3 : i32
    %shift_right_logical3A_638 = vector.broadcast %shift_right_logical3A_637 : i32 to vector<16xi32>
    %shift_right_logical3A_639 = arith.shrui %get3A_636, %shift_right_logical3A_638 : vector<16xi32>
    %shift_left3A_640 = arith.constant 17 : i32
    %shift_left3A_641 = vector.broadcast %shift_left3A_640 : i32 to vector<16xi32>
    %shift_left3A_642 = arith.shli %shift_right_logical3A_639, %shift_left3A_641 : vector<16xi32>
    %and3A_643 = arith.constant 7 : i32
    %and3A_644 = vector.broadcast %and3A_643 : i32 to vector<16xi32>
    %and3A_645 = arith.andi %get3A_636, %and3A_644 : vector<16xi32>
    %shift_left3A_646 = arith.constant 7 : i32
    %shift_left3A_647 = vector.broadcast %shift_left3A_646 : i32 to vector<16xi32>
    %shift_left3A_648 = arith.shli %and3A_645, %shift_left3A_647 : vector<16xi32>
    %add3A_649 = arith.addi %shift_left3A_642, %shift_left3A_648 : vector<16xi32>
    %add3A_650 = vector.broadcast %add3A_633 : i32 to vector<16xi32>
    %add3A_651 = arith.addi %iota3A, %add3A_650 : vector<16xi32>
    %add3A_652 = arith.addi %add3A_649, %add3A_651 : vector<16xi32>
    %swap3A_653 = arith.constant 304 : index
    %swap3A_654 = tpu.vector_load %arg6[%swap3A_653] {strides = array<i32>} : memref<512xi32, #tpu.memory_space<vmem>>, vector<16xi32>,
    %swap3A_655 = vector.shape_cast %swap3A_654 : vector<16xi32> to vector<16xi32>
    %swap3A_656 = vector.shape_cast %add3A_652 : vector<16xi32> to vector<16xi32>
    tpu.vector_store %arg6[%swap3A_653], %swap3A_656 {strides = array<i32>} : memref<512xi32, #tpu.memory_space<vmem>>, vector<16xi32>,
    %add3A_657 = arith.constant 320 : i32
    %add3A_658 = arith.addi %mul3A_2, %add3A_657 : i32
    %shift_right_arithmetic3A_659 = arith.constant 7 : i32
    %shift_right_arithmetic3A_660 = arith.shrsi %add3A_658, %shift_right_arithmetic3A_659 : i32
    %shift_left3A_661 = arith.constant 10 : i32
    %shift_left3A_662 = arith.shli %shift_right_arithmetic3A_660, %shift_left3A_661 : i32
    %and3A_663 = arith.constant 127 : i32
    %and3A_664 = arith.andi %add3A_658, %and3A_663 : i32
    %add3A_665 = arith.addi %shift_left3A_662, %and3A_664 : i32
    %get3A_666 = arith.constant 320 : index
    %get3A_667 = tpu.vector_load %arg5[%get3A_666] {strides = array<i32>} : memref<512xi32, #tpu.memory_space<vmem>>, vector<16xi32>,
    %get3A_668 = vector.shape_cast %get3A_667 : vector<16xi32> to vector<16xi32>
    %shift_right_logical3A_669 = arith.constant 3 : i32
    %shift_right_logical3A_670 = vector.broadcast %shift_right_logical3A_669 : i32 to vector<16xi32>
    %shift_right_logical3A_671 = arith.shrui %get3A_668, %shift_right_logical3A_670 : vector<16xi32>
    %shift_left3A_672 = arith.constant 17 : i32
    %shift_left3A_673 = vector.broadcast %shift_left3A_672 : i32 to vector<16xi32>
    %shift_left3A_674 = arith.shli %shift_right_logical3A_671, %shift_left3A_673 : vector<16xi32>
    %and3A_675 = arith.constant 7 : i32
    %and3A_676 = vector.broadcast %and3A_675 : i32 to vector<16xi32>
    %and3A_677 = arith.andi %get3A_668, %and3A_676 : vector<16xi32>
    %shift_left3A_678 = arith.constant 7 : i32
    %shift_left3A_679 = vector.broadcast %shift_left3A_678 : i32 to vector<16xi32>
    %shift_left3A_680 = arith.shli %and3A_677, %shift_left3A_679 : vector<16xi32>
    %add3A_681 = arith.addi %shift_left3A_674, %shift_left3A_680 : vector<16xi32>
    %add3A_682 = vector.broadcast %add3A_665 : i32 to vector<16xi32>
    %add3A_683 = arith.addi %iota3A, %add3A_682 : vector<16xi32>
    %add3A_684 = arith.addi %add3A_681, %add3A_683 : vector<16xi32>
    %swap3A_685 = arith.constant 320 : index
    %swap3A_686 = tpu.vector_load %arg6[%swap3A_685] {strides = array<i32>} : memref<512xi32, #tpu.memory_space<vmem>>, vector<16xi32>,
    %swap3A_687 = vector.shape_cast %swap3A_686 : vector<16xi32> to vector<16xi32>
    %swap3A_688 = vector.shape_cast %add3A_684 : vector<16xi32> to vector<16xi32>
    tpu.vector_store %arg6[%swap3A_685], %swap3A_688 {strides = array<i32>} : memref<512xi32, #tpu.memory_space<vmem>>, vector<16xi32>,
    %add3A_689 = arith.constant 336 : i32
    %add3A_690 = arith.addi %mul3A_2, %add3A_689 : i32
    %shift_right_arithmetic3A_691 = arith.constant 7 : i32
    %shift_right_arithmetic3A_692 = arith.shrsi %add3A_690, %shift_right_arithmetic3A_691 : i32
    %shift_left3A_693 = arith.constant 10 : i32
    %shift_left3A_694 = arith.shli %shift_right_arithmetic3A_692, %shift_left3A_693 : i32
    %and3A_695 = arith.constant 127 : i32
    %and3A_696 = arith.andi %add3A_690, %and3A_695 : i32
    %add3A_697 = arith.addi %shift_left3A_694, %and3A_696 : i32
    %get3A_698 = arith.constant 336 : index
    %get3A_699 = tpu.vector_load %arg5[%get3A_698] {strides = array<i32>} : memref<512xi32, #tpu.memory_space<vmem>>, vector<16xi32>,
    %get3A_700 = vector.shape_cast %get3A_699 : vector<16xi32> to vector<16xi32>
    %shift_right_logical3A_701 = arith.constant 3 : i32
    %shift_right_logical3A_702 = vector.broadcast %shift_right_logical3A_701 : i32 to vector<16xi32>
    %shift_right_logical3A_703 = arith.shrui %get3A_700, %shift_right_logical3A_702 : vector<16xi32>
    %shift_left3A_704 = arith.constant 17 : i32
    %shift_left3A_705 = vector.broadcast %shift_left3A_704 : i32 to vector<16xi32>
    %shift_left3A_706 = arith.shli %shift_right_logical3A_703, %shift_left3A_705 : vector<16xi32>
    %and3A_707 = arith.constant 7 : i32
    %and3A_708 = vector.broadcast %and3A_707 : i32 to vector<16xi32>
    %and3A_709 = arith.andi %get3A_700, %and3A_708 : vector<16xi32>
    %shift_left3A_710 = arith.constant 7 : i32
    %shift_left3A_711 = vector.broadcast %shift_left3A_710 : i32 to vector<16xi32>
    %shift_left3A_712 = arith.shli %and3A_709, %shift_left3A_711 : vector<16xi32>
    %add3A_713 = arith.addi %shift_left3A_706, %shift_left3A_712 : vector<16xi32>
    %add3A_714 = vector.broadcast %add3A_697 : i32 to vector<16xi32>
    %add3A_715 = arith.addi %iota3A, %add3A_714 : vector<16xi32>
    %add3A_716 = arith.addi %add3A_713, %add3A_715 : vector<16xi32>
    %swap3A_717 = arith.constant 336 : index
    %swap3A_718 = tpu.vector_load %arg6[%swap3A_717] {strides = array<i32>} : memref<512xi32, #tpu.memory_space<vmem>>, vector<16xi32>,
    %swap3A_719 = vector.shape_cast %swap3A_718 : vector<16xi32> to vector<16xi32>
    %swap3A_720 = vector.shape_cast %add3A_716 : vector<16xi32> to vector<16xi32>
    tpu.vector_store %arg6[%swap3A_717], %swap3A_720 {strides = array<i32>} : memref<512xi32, #tpu.memory_space<vmem>>, vector<16xi32>,
    %add3A_721 = arith.constant 352 : i32
    %add3A_722 = arith.addi %mul3A_2, %add3A_721 : i32
    %shift_right_arithmetic3A_723 = arith.constant 7 : i32
    %shift_right_arithmetic3A_724 = arith.shrsi %add3A_722, %shift_right_arithmetic3A_723 : i32
    %shift_left3A_725 = arith.constant 10 : i32
    %shift_left3A_726 = arith.shli %shift_right_arithmetic3A_724, %shift_left3A_725 : i32
    %and3A_727 = arith.constant 127 : i32
    %and3A_728 = arith.andi %add3A_722, %and3A_727 : i32
    %add3A_729 = arith.addi %shift_left3A_726, %and3A_728 : i32
    %get3A_730 = arith.constant 352 : index
    %get3A_731 = tpu.vector_load %arg5[%get3A_730] {strides = array<i32>} : memref<512xi32, #tpu.memory_space<vmem>>, vector<16xi32>,
    %get3A_732 = vector.shape_cast %get3A_731 : vector<16xi32> to vector<16xi32>
    %shift_right_logical3A_733 = arith.constant 3 : i32
    %shift_right_logical3A_734 = vector.broadcast %shift_right_logical3A_733 : i32 to vector<16xi32>
    %shift_right_logical3A_735 = arith.shrui %get3A_732, %shift_right_logical3A_734 : vector<16xi32>
    %shift_left3A_736 = arith.constant 17 : i32
    %shift_left3A_737 = vector.broadcast %shift_left3A_736 : i32 to vector<16xi32>
    %shift_left3A_738 = arith.shli %shift_right_logical3A_735, %shift_left3A_737 : vector<16xi32>
    %and3A_739 = arith.constant 7 : i32
    %and3A_740 = vector.broadcast %and3A_739 : i32 to vector<16xi32>
    %and3A_741 = arith.andi %get3A_732, %and3A_740 : vector<16xi32>
    %shift_left3A_742 = arith.constant 7 : i32
    %shift_left3A_743 = vector.broadcast %shift_left3A_742 : i32 to vector<16xi32>
    %shift_left3A_744 = arith.shli %and3A_741, %shift_left3A_743 : vector<16xi32>
    %add3A_745 = arith.addi %shift_left3A_738, %shift_left3A_744 : vector<16xi32>
    %add3A_746 = vector.broadcast %add3A_729 : i32 to vector<16xi32>
    %add3A_747 = arith.addi %iota3A, %add3A_746 : vector<16xi32>
    %add3A_748 = arith.addi %add3A_745, %add3A_747 : vector<16xi32>
    %swap3A_749 = arith.constant 352 : index
    %swap3A_750 = tpu.vector_load %arg6[%swap3A_749] {strides = array<i32>} : memref<512xi32, #tpu.memory_space<vmem>>, vector<16xi32>,
    %swap3A_751 = vector.shape_cast %swap3A_750 : vector<16xi32> to vector<16xi32>
    %swap3A_752 = vector.shape_cast %add3A_748 : vector<16xi32> to vector<16xi32>
    tpu.vector_store %arg6[%swap3A_749], %swap3A_752 {strides = array<i32>} : memref<512xi32, #tpu.memory_space<vmem>>, vector<16xi32>,
    %add3A_753 = arith.constant 368 : i32
    %add3A_754 = arith.addi %mul3A_2, %add3A_753 : i32
    %shift_right_arithmetic3A_755 = arith.constant 7 : i32
    %shift_right_arithmetic3A_756 = arith.shrsi %add3A_754, %shift_right_arithmetic3A_755 : i32
    %shift_left3A_757 = arith.constant 10 : i32
    %shift_left3A_758 = arith.shli %shift_right_arithmetic3A_756, %shift_left3A_757 : i32
    %and3A_759 = arith.constant 127 : i32
    %and3A_760 = arith.andi %add3A_754, %and3A_759 : i32
    %add3A_761 = arith.addi %shift_left3A_758, %and3A_760 : i32
    %get3A_762 = arith.constant 368 : index
    %get3A_763 = tpu.vector_load %arg5[%get3A_762] {strides = array<i32>} : memref<512xi32, #tpu.memory_space<vmem>>, vector<16xi32>,
    %get3A_764 = vector.shape_cast %get3A_763 : vector<16xi32> to vector<16xi32>
    %shift_right_logical3A_765 = arith.constant 3 : i32
    %shift_right_logical3A_766 = vector.broadcast %shift_right_logical3A_765 : i32 to vector<16xi32>
    %shift_right_logical3A_767 = arith.shrui %get3A_764, %shift_right_logical3A_766 : vector<16xi32>
    %shift_left3A_768 = arith.constant 17 : i32
    %shift_left3A_769 = vector.broadcast %shift_left3A_768 : i32 to vector<16xi32>
    %shift_left3A_770 = arith.shli %shift_right_logical3A_767, %shift_left3A_769 : vector<16xi32>
    %and3A_771 = arith.constant 7 : i32
    %and3A_772 = vector.broadcast %and3A_771 : i32 to vector<16xi32>
    %and3A_773 = arith.andi %get3A_764, %and3A_772 : vector<16xi32>
    %shift_left3A_774 = arith.constant 7 : i32
    %shift_left3A_775 = vector.broadcast %shift_left3A_774 : i32 to vector<16xi32>
    %shift_left3A_776 = arith.shli %and3A_773, %shift_left3A_775 : vector<16xi32>
    %add3A_777 = arith.addi %shift_left3A_770, %shift_left3A_776 : vector<16xi32>
    %add3A_778 = vector.broadcast %add3A_761 : i32 to vector<16xi32>
    %add3A_779 = arith.addi %iota3A, %add3A_778 : vector<16xi32>
    %add3A_780 = arith.addi %add3A_777, %add3A_779 : vector<16xi32>
    %swap3A_781 = arith.constant 368 : index
    %swap3A_782 = tpu.vector_load %arg6[%swap3A_781] {strides = array<i32>} : memref<512xi32, #tpu.memory_space<vmem>>, vector<16xi32>,
    %swap3A_783 = vector.shape_cast %swap3A_782 : vector<16xi32> to vector<16xi32>
    %swap3A_784 = vector.shape_cast %add3A_780 : vector<16xi32> to vector<16xi32>
    tpu.vector_store %arg6[%swap3A_781], %swap3A_784 {strides = array<i32>} : memref<512xi32, #tpu.memory_space<vmem>>, vector<16xi32>,
    %dma_start3A_785 = arith.constant 2 : i32
    %dma_start3A_786 = arith.constant 256 : i32
    %dma_start3A_787 = tpu.memref_slice %arg7[%dma_start3A_786] : memref<512xf32, #tpu.memory_space<vmem>> -> memref<128xf32, #tpu.memory_space<vmem>>
    %dma_start3A_788 = arith.constant 256 : i32
    %dma_start3A_789 = tpu.memref_slice %arg6[%dma_start3A_788] : memref<512xi32, #tpu.memory_space<vmem>> -> memref<128xi32, #tpu.memory_space<vmem>>
    %dma_start3A_790 = arith.constant 0 : i32
    %dma_start3A_791 = tpu.memref_slice %arg2[%dma_start3A_790] : memref<16384000xf32, #tpu.memory_space<hbm>> -> memref<16384000xf32, #tpu.memory_space<hbm>>
    %dma_start3A_792 = tpu.memref_slice %arg9[%dma_start3A_785] : memref<4x!tpu.dma_semaphore, #tpu.memory_space<semaphore_mem>> -> memref<1x!tpu.dma_semaphore, #tpu.memory_space<semaphore_mem>>
    %dma_start3A_793 = tpu.memref_squeeze %dma_start3A_792 : memref<1x!tpu.dma_semaphore, #tpu.memory_space<semaphore_mem>> -> memref<!tpu.dma_semaphore, #tpu.memory_space<semaphore_mem>>
    tpu.enqueue_indirect_dma source(%dma_start3A_791 : memref<16384000xf32, #tpu.memory_space<hbm>>) target(%dma_start3A_787 : memref<128xf32, #tpu.memory_space<vmem>>) offsets(%dma_start3A_789 : memref<128xi32, #tpu.memory_space<vmem>>) semaphore(%dma_start3A_793 : memref<!tpu.dma_semaphore, #tpu.memory_space<semaphore_mem>>)
    %add3A_794 = arith.constant 384 : i32
    %add3A_795 = arith.addi %mul3A_2, %add3A_794 : i32
    %shift_right_arithmetic3A_796 = arith.constant 7 : i32
    %shift_right_arithmetic3A_797 = arith.shrsi %add3A_795, %shift_right_arithmetic3A_796 : i32
    %shift_left3A_798 = arith.constant 10 : i32
    %shift_left3A_799 = arith.shli %shift_right_arithmetic3A_797, %shift_left3A_798 : i32
    %and3A_800 = arith.constant 127 : i32
    %and3A_801 = arith.andi %add3A_795, %and3A_800 : i32
    %add3A_802 = arith.addi %shift_left3A_799, %and3A_801 : i32
    %get3A_803 = arith.constant 384 : index
    %get3A_804 = tpu.vector_load %arg5[%get3A_803] {strides = array<i32>} : memref<512xi32, #tpu.memory_space<vmem>>, vector<16xi32>,
    %get3A_805 = vector.shape_cast %get3A_804 : vector<16xi32> to vector<16xi32>
    %shift_right_logical3A_806 = arith.constant 3 : i32
    %shift_right_logical3A_807 = vector.broadcast %shift_right_logical3A_806 : i32 to vector<16xi32>
    %shift_right_logical3A_808 = arith.shrui %get3A_805, %shift_right_logical3A_807 : vector<16xi32>
    %shift_left3A_809 = arith.constant 17 : i32
    %shift_left3A_810 = vector.broadcast %shift_left3A_809 : i32 to vector<16xi32>
    %shift_left3A_811 = arith.shli %shift_right_logical3A_808, %shift_left3A_810 : vector<16xi32>
    %and3A_812 = arith.constant 7 : i32
    %and3A_813 = vector.broadcast %and3A_812 : i32 to vector<16xi32>
    %and3A_814 = arith.andi %get3A_805, %and3A_813 : vector<16xi32>
    %shift_left3A_815 = arith.constant 7 : i32
    %shift_left3A_816 = vector.broadcast %shift_left3A_815 : i32 to vector<16xi32>
    %shift_left3A_817 = arith.shli %and3A_814, %shift_left3A_816 : vector<16xi32>
    %add3A_818 = arith.addi %shift_left3A_811, %shift_left3A_817 : vector<16xi32>
    %add3A_819 = vector.broadcast %add3A_802 : i32 to vector<16xi32>
    %add3A_820 = arith.addi %iota3A, %add3A_819 : vector<16xi32>
    %add3A_821 = arith.addi %add3A_818, %add3A_820 : vector<16xi32>
    %swap3A_822 = arith.constant 384 : index
    %swap3A_823 = tpu.vector_load %arg6[%swap3A_822] {strides = array<i32>} : memref<512xi32, #tpu.memory_space<vmem>>, vector<16xi32>,
    %swap3A_824 = vector.shape_cast %swap3A_823 : vector<16xi32> to vector<16xi32>
    %swap3A_825 = vector.shape_cast %add3A_821 : vector<16xi32> to vector<16xi32>
    tpu.vector_store %arg6[%swap3A_822], %swap3A_825 {strides = array<i32>} : memref<512xi32, #tpu.memory_space<vmem>>, vector<16xi32>,
    %add3A_826 = arith.constant 400 : i32
    %add3A_827 = arith.addi %mul3A_2, %add3A_826 : i32
    %shift_right_arithmetic3A_828 = arith.constant 7 : i32
    %shift_right_arithmetic3A_829 = arith.shrsi %add3A_827, %shift_right_arithmetic3A_828 : i32
    %shift_left3A_830 = arith.constant 10 : i32
    %shift_left3A_831 = arith.shli %shift_right_arithmetic3A_829, %shift_left3A_830 : i32
    %and3A_832 = arith.constant 127 : i32
    %and3A_833 = arith.andi %add3A_827, %and3A_832 : i32
    %add3A_834 = arith.addi %shift_left3A_831, %and3A_833 : i32
    %get3A_835 = arith.constant 400 : index
    %get3A_836 = tpu.vector_load %arg5[%get3A_835] {strides = array<i32>} : memref<512xi32, #tpu.memory_space<vmem>>, vector<16xi32>,
    %get3A_837 = vector.shape_cast %get3A_836 : vector<16xi32> to vector<16xi32>
    %shift_right_logical3A_838 = arith.constant 3 : i32
    %shift_right_logical3A_839 = vector.broadcast %shift_right_logical3A_838 : i32 to vector<16xi32>
    %shift_right_logical3A_840 = arith.shrui %get3A_837, %shift_right_logical3A_839 : vector<16xi32>
    %shift_left3A_841 = arith.constant 17 : i32
    %shift_left3A_842 = vector.broadcast %shift_left3A_841 : i32 to vector<16xi32>
    %shift_left3A_843 = arith.shli %shift_right_logical3A_840, %shift_left3A_842 : vector<16xi32>
    %and3A_844 = arith.constant 7 : i32
    %and3A_845 = vector.broadcast %and3A_844 : i32 to vector<16xi32>
    %and3A_846 = arith.andi %get3A_837, %and3A_845 : vector<16xi32>
    %shift_left3A_847 = arith.constant 7 : i32
    %shift_left3A_848 = vector.broadcast %shift_left3A_847 : i32 to vector<16xi32>
    %shift_left3A_849 = arith.shli %and3A_846, %shift_left3A_848 : vector<16xi32>
    %add3A_850 = arith.addi %shift_left3A_843, %shift_left3A_849 : vector<16xi32>
    %add3A_851 = vector.broadcast %add3A_834 : i32 to vector<16xi32>
    %add3A_852 = arith.addi %iota3A, %add3A_851 : vector<16xi32>
    %add3A_853 = arith.addi %add3A_850, %add3A_852 : vector<16xi32>
    %swap3A_854 = arith.constant 400 : index
    %swap3A_855 = tpu.vector_load %arg6[%swap3A_854] {strides = array<i32>} : memref<512xi32, #tpu.memory_space<vmem>>, vector<16xi32>,
    %swap3A_856 = vector.shape_cast %swap3A_855 : vector<16xi32> to vector<16xi32>
    %swap3A_857 = vector.shape_cast %add3A_853 : vector<16xi32> to vector<16xi32>
    tpu.vector_store %arg6[%swap3A_854], %swap3A_857 {strides = array<i32>} : memref<512xi32, #tpu.memory_space<vmem>>, vector<16xi32>,
    %add3A_858 = arith.constant 416 : i32
    %add3A_859 = arith.addi %mul3A_2, %add3A_858 : i32
    %shift_right_arithmetic3A_860 = arith.constant 7 : i32
    %shift_right_arithmetic3A_861 = arith.shrsi %add3A_859, %shift_right_arithmetic3A_860 : i32
    %shift_left3A_862 = arith.constant 10 : i32
    %shift_left3A_863 = arith.shli %shift_right_arithmetic3A_861, %shift_left3A_862 : i32
    %and3A_864 = arith.constant 127 : i32
    %and3A_865 = arith.andi %add3A_859, %and3A_864 : i32
    %add3A_866 = arith.addi %shift_left3A_863, %and3A_865 : i32
    %get3A_867 = arith.constant 416 : index
    %get3A_868 = tpu.vector_load %arg5[%get3A_867] {strides = array<i32>} : memref<512xi32, #tpu.memory_space<vmem>>, vector<16xi32>,
    %get3A_869 = vector.shape_cast %get3A_868 : vector<16xi32> to vector<16xi32>
    %shift_right_logical3A_870 = arith.constant 3 : i32
    %shift_right_logical3A_871 = vector.broadcast %shift_right_logical3A_870 : i32 to vector<16xi32>
    %shift_right_logical3A_872 = arith.shrui %get3A_869, %shift_right_logical3A_871 : vector<16xi32>
    %shift_left3A_873 = arith.constant 17 : i32
    %shift_left3A_874 = vector.broadcast %shift_left3A_873 : i32 to vector<16xi32>
    %shift_left3A_875 = arith.shli %shift_right_logical3A_872, %shift_left3A_874 : vector<16xi32>
    %and3A_876 = arith.constant 7 : i32
    %and3A_877 = vector.broadcast %and3A_876 : i32 to vector<16xi32>
    %and3A_878 = arith.andi %get3A_869, %and3A_877 : vector<16xi32>
    %shift_left3A_879 = arith.constant 7 : i32
    %shift_left3A_880 = vector.broadcast %shift_left3A_879 : i32 to vector<16xi32>
    %shift_left3A_881 = arith.shli %and3A_878, %shift_left3A_880 : vector<16xi32>
    %add3A_882 = arith.addi %shift_left3A_875, %shift_left3A_881 : vector<16xi32>
    %add3A_883 = vector.broadcast %add3A_866 : i32 to vector<16xi32>
    %add3A_884 = arith.addi %iota3A, %add3A_883 : vector<16xi32>
    %add3A_885 = arith.addi %add3A_882, %add3A_884 : vector<16xi32>
    %swap3A_886 = arith.constant 416 : index
    %swap3A_887 = tpu.vector_load %arg6[%swap3A_886] {strides = array<i32>} : memref<512xi32, #tpu.memory_space<vmem>>, vector<16xi32>,
    %swap3A_888 = vector.shape_cast %swap3A_887 : vector<16xi32> to vector<16xi32>
    %swap3A_889 = vector.shape_cast %add3A_885 : vector<16xi32> to vector<16xi32>
    tpu.vector_store %arg6[%swap3A_886], %swap3A_889 {strides = array<i32>} : memref<512xi32, #tpu.memory_space<vmem>>, vector<16xi32>,
    %add3A_890 = arith.constant 432 : i32
    %add3A_891 = arith.addi %mul3A_2, %add3A_890 : i32
    %shift_right_arithmetic3A_892 = arith.constant 7 : i32
    %shift_right_arithmetic3A_893 = arith.shrsi %add3A_891, %shift_right_arithmetic3A_892 : i32
    %shift_left3A_894 = arith.constant 10 : i32
    %shift_left3A_895 = arith.shli %shift_right_arithmetic3A_893, %shift_left3A_894 : i32
    %and3A_896 = arith.constant 127 : i32
    %and3A_897 = arith.andi %add3A_891, %and3A_896 : i32
    %add3A_898 = arith.addi %shift_left3A_895, %and3A_897 : i32
    %get3A_899 = arith.constant 432 : index
    %get3A_900 = tpu.vector_load %arg5[%get3A_899] {strides = array<i32>} : memref<512xi32, #tpu.memory_space<vmem>>, vector<16xi32>,
    %get3A_901 = vector.shape_cast %get3A_900 : vector<16xi32> to vector<16xi32>
    %shift_right_logical3A_902 = arith.constant 3 : i32
    %shift_right_logical3A_903 = vector.broadcast %shift_right_logical3A_902 : i32 to vector<16xi32>
    %shift_right_logical3A_904 = arith.shrui %get3A_901, %shift_right_logical3A_903 : vector<16xi32>
    %shift_left3A_905 = arith.constant 17 : i32
    %shift_left3A_906 = vector.broadcast %shift_left3A_905 : i32 to vector<16xi32>
    %shift_left3A_907 = arith.shli %shift_right_logical3A_904, %shift_left3A_906 : vector<16xi32>
    %and3A_908 = arith.constant 7 : i32
    %and3A_909 = vector.broadcast %and3A_908 : i32 to vector<16xi32>
    %and3A_910 = arith.andi %get3A_901, %and3A_909 : vector<16xi32>
    %shift_left3A_911 = arith.constant 7 : i32
    %shift_left3A_912 = vector.broadcast %shift_left3A_911 : i32 to vector<16xi32>
    %shift_left3A_913 = arith.shli %and3A_910, %shift_left3A_912 : vector<16xi32>
    %add3A_914 = arith.addi %shift_left3A_907, %shift_left3A_913 : vector<16xi32>
    %add3A_915 = vector.broadcast %add3A_898 : i32 to vector<16xi32>
    %add3A_916 = arith.addi %iota3A, %add3A_915 : vector<16xi32>
    %add3A_917 = arith.addi %add3A_914, %add3A_916 : vector<16xi32>
    %swap3A_918 = arith.constant 432 : index
    %swap3A_919 = tpu.vector_load %arg6[%swap3A_918] {strides = array<i32>} : memref<512xi32, #tpu.memory_space<vmem>>, vector<16xi32>,
    %swap3A_920 = vector.shape_cast %swap3A_919 : vector<16xi32> to vector<16xi32>
    %swap3A_921 = vector.shape_cast %add3A_917 : vector<16xi32> to vector<16xi32>
    tpu.vector_store %arg6[%swap3A_918], %swap3A_921 {strides = array<i32>} : memref<512xi32, #tpu.memory_space<vmem>>, vector<16xi32>,
    %add3A_922 = arith.constant 448 : i32
    %add3A_923 = arith.addi %mul3A_2, %add3A_922 : i32
    %shift_right_arithmetic3A_924 = arith.constant 7 : i32
    %shift_right_arithmetic3A_925 = arith.shrsi %add3A_923, %shift_right_arithmetic3A_924 : i32
    %shift_left3A_926 = arith.constant 10 : i32
    %shift_left3A_927 = arith.shli %shift_right_arithmetic3A_925, %shift_left3A_926 : i32
    %and3A_928 = arith.constant 127 : i32
    %and3A_929 = arith.andi %add3A_923, %and3A_928 : i32
    %add3A_930 = arith.addi %shift_left3A_927, %and3A_929 : i32
    %get3A_931 = arith.constant 448 : index
    %get3A_932 = tpu.vector_load %arg5[%get3A_931] {strides = array<i32>} : memref<512xi32, #tpu.memory_space<vmem>>, vector<16xi32>,
    %get3A_933 = vector.shape_cast %get3A_932 : vector<16xi32> to vector<16xi32>
    %shift_right_logical3A_934 = arith.constant 3 : i32
    %shift_right_logical3A_935 = vector.broadcast %shift_right_logical3A_934 : i32 to vector<16xi32>
    %shift_right_logical3A_936 = arith.shrui %get3A_933, %shift_right_logical3A_935 : vector<16xi32>
    %shift_left3A_937 = arith.constant 17 : i32
    %shift_left3A_938 = vector.broadcast %shift_left3A_937 : i32 to vector<16xi32>
    %shift_left3A_939 = arith.shli %shift_right_logical3A_936, %shift_left3A_938 : vector<16xi32>
    %and3A_940 = arith.constant 7 : i32
    %and3A_941 = vector.broadcast %and3A_940 : i32 to vector<16xi32>
    %and3A_942 = arith.andi %get3A_933, %and3A_941 : vector<16xi32>
    %shift_left3A_943 = arith.constant 7 : i32
    %shift_left3A_944 = vector.broadcast %shift_left3A_943 : i32 to vector<16xi32>
    %shift_left3A_945 = arith.shli %and3A_942, %shift_left3A_944 : vector<16xi32>
    %add3A_946 = arith.addi %shift_left3A_939, %shift_left3A_945 : vector<16xi32>
    %add3A_947 = vector.broadcast %add3A_930 : i32 to vector<16xi32>
    %add3A_948 = arith.addi %iota3A, %add3A_947 : vector<16xi32>
    %add3A_949 = arith.addi %add3A_946, %add3A_948 : vector<16xi32>
    %swap3A_950 = arith.constant 448 : index
    %swap3A_951 = tpu.vector_load %arg6[%swap3A_950] {strides = array<i32>} : memref<512xi32, #tpu.memory_space<vmem>>, vector<16xi32>,
    %swap3A_952 = vector.shape_cast %swap3A_951 : vector<16xi32> to vector<16xi32>
    %swap3A_953 = vector.shape_cast %add3A_949 : vector<16xi32> to vector<16xi32>
    tpu.vector_store %arg6[%swap3A_950], %swap3A_953 {strides = array<i32>} : memref<512xi32, #tpu.memory_space<vmem>>, vector<16xi32>,
    %add3A_954 = arith.constant 464 : i32
    %add3A_955 = arith.addi %mul3A_2, %add3A_954 : i32
    %shift_right_arithmetic3A_956 = arith.constant 7 : i32
    %shift_right_arithmetic3A_957 = arith.shrsi %add3A_955, %shift_right_arithmetic3A_956 : i32
    %shift_left3A_958 = arith.constant 10 : i32
    %shift_left3A_959 = arith.shli %shift_right_arithmetic3A_957, %shift_left3A_958 : i32
    %and3A_960 = arith.constant 127 : i32
    %and3A_961 = arith.andi %add3A_955, %and3A_960 : i32
    %add3A_962 = arith.addi %shift_left3A_959, %and3A_961 : i32
    %get3A_963 = arith.constant 464 : index
    %get3A_964 = tpu.vector_load %arg5[%get3A_963] {strides = array<i32>} : memref<512xi32, #tpu.memory_space<vmem>>, vector<16xi32>,
    %get3A_965 = vector.shape_cast %get3A_964 : vector<16xi32> to vector<16xi32>
    %shift_right_logical3A_966 = arith.constant 3 : i32
    %shift_right_logical3A_967 = vector.broadcast %shift_right_logical3A_966 : i32 to vector<16xi32>
    %shift_right_logical3A_968 = arith.shrui %get3A_965, %shift_right_logical3A_967 : vector<16xi32>
    %shift_left3A_969 = arith.constant 17 : i32
    %shift_left3A_970 = vector.broadcast %shift_left3A_969 : i32 to vector<16xi32>
    %shift_left3A_971 = arith.shli %shift_right_logical3A_968, %shift_left3A_970 : vector<16xi32>
    %and3A_972 = arith.constant 7 : i32
    %and3A_973 = vector.broadcast %and3A_972 : i32 to vector<16xi32>
    %and3A_974 = arith.andi %get3A_965, %and3A_973 : vector<16xi32>
    %shift_left3A_975 = arith.constant 7 : i32
    %shift_left3A_976 = vector.broadcast %shift_left3A_975 : i32 to vector<16xi32>
    %shift_left3A_977 = arith.shli %and3A_974, %shift_left3A_976 : vector<16xi32>
    %add3A_978 = arith.addi %shift_left3A_971, %shift_left3A_977 : vector<16xi32>
    %add3A_979 = vector.broadcast %add3A_962 : i32 to vector<16xi32>
    %add3A_980 = arith.addi %iota3A, %add3A_979 : vector<16xi32>
    %add3A_981 = arith.addi %add3A_978, %add3A_980 : vector<16xi32>
    %swap3A_982 = arith.constant 464 : index
    %swap3A_983 = tpu.vector_load %arg6[%swap3A_982] {strides = array<i32>} : memref<512xi32, #tpu.memory_space<vmem>>, vector<16xi32>,
    %swap3A_984 = vector.shape_cast %swap3A_983 : vector<16xi32> to vector<16xi32>
    %swap3A_985 = vector.shape_cast %add3A_981 : vector<16xi32> to vector<16xi32>
    tpu.vector_store %arg6[%swap3A_982], %swap3A_985 {strides = array<i32>} : memref<512xi32, #tpu.memory_space<vmem>>, vector<16xi32>,
    %add3A_986 = arith.constant 480 : i32
    %add3A_987 = arith.addi %mul3A_2, %add3A_986 : i32
    %shift_right_arithmetic3A_988 = arith.constant 7 : i32
    %shift_right_arithmetic3A_989 = arith.shrsi %add3A_987, %shift_right_arithmetic3A_988 : i32
    %shift_left3A_990 = arith.constant 10 : i32
    %shift_left3A_991 = arith.shli %shift_right_arithmetic3A_989, %shift_left3A_990 : i32
    %and3A_992 = arith.constant 127 : i32
    %and3A_993 = arith.andi %add3A_987, %and3A_992 : i32
    %add3A_994 = arith.addi %shift_left3A_991, %and3A_993 : i32
    %get3A_995 = arith.constant 480 : index
    %get3A_996 = tpu.vector_load %arg5[%get3A_995] {strides = array<i32>} : memref<512xi32, #tpu.memory_space<vmem>>, vector<16xi32>,
    %get3A_997 = vector.shape_cast %get3A_996 : vector<16xi32> to vector<16xi32>
    %shift_right_logical3A_998 = arith.constant 3 : i32
    %shift_right_logical3A_999 = vector.broadcast %shift_right_logical3A_998 : i32 to vector<16xi32>
    %shift_right_logical3A_1000 = arith.shrui %get3A_997, %shift_right_logical3A_999 : vector<16xi32>
    %shift_left3A_1001 = arith.constant 17 : i32
    %shift_left3A_1002 = vector.broadcast %shift_left3A_1001 : i32 to vector<16xi32>
    %shift_left3A_1003 = arith.shli %shift_right_logical3A_1000, %shift_left3A_1002 : vector<16xi32>
    %and3A_1004 = arith.constant 7 : i32
    %and3A_1005 = vector.broadcast %and3A_1004 : i32 to vector<16xi32>
    %and3A_1006 = arith.andi %get3A_997, %and3A_1005 : vector<16xi32>
    %shift_left3A_1007 = arith.constant 7 : i32
    %shift_left3A_1008 = vector.broadcast %shift_left3A_1007 : i32 to vector<16xi32>
    %shift_left3A_1009 = arith.shli %and3A_1006, %shift_left3A_1008 : vector<16xi32>
    %add3A_1010 = arith.addi %shift_left3A_1003, %shift_left3A_1009 : vector<16xi32>
    %add3A_1011 = vector.broadcast %add3A_994 : i32 to vector<16xi32>
    %add3A_1012 = arith.addi %iota3A, %add3A_1011 : vector<16xi32>
    %add3A_1013 = arith.addi %add3A_1010, %add3A_1012 : vector<16xi32>
    %swap3A_1014 = arith.constant 480 : index
    %swap3A_1015 = tpu.vector_load %arg6[%swap3A_1014] {strides = array<i32>} : memref<512xi32, #tpu.memory_space<vmem>>, vector<16xi32>,
    %swap3A_1016 = vector.shape_cast %swap3A_1015 : vector<16xi32> to vector<16xi32>
    %swap3A_1017 = vector.shape_cast %add3A_1013 : vector<16xi32> to vector<16xi32>
    tpu.vector_store %arg6[%swap3A_1014], %swap3A_1017 {strides = array<i32>} : memref<512xi32, #tpu.memory_space<vmem>>, vector<16xi32>,
    %add3A_1018 = arith.constant 496 : i32
    %add3A_1019 = arith.addi %mul3A_2, %add3A_1018 : i32
    %shift_right_arithmetic3A_1020 = arith.constant 7 : i32
    %shift_right_arithmetic3A_1021 = arith.shrsi %add3A_1019, %shift_right_arithmetic3A_1020 : i32
    %shift_left3A_1022 = arith.constant 10 : i32
    %shift_left3A_1023 = arith.shli %shift_right_arithmetic3A_1021, %shift_left3A_1022 : i32
    %and3A_1024 = arith.constant 127 : i32
    %and3A_1025 = arith.andi %add3A_1019, %and3A_1024 : i32
    %add3A_1026 = arith.addi %shift_left3A_1023, %and3A_1025 : i32
    %get3A_1027 = arith.constant 496 : index
    %get3A_1028 = tpu.vector_load %arg5[%get3A_1027] {strides = array<i32>} : memref<512xi32, #tpu.memory_space<vmem>>, vector<16xi32>,
    %get3A_1029 = vector.shape_cast %get3A_1028 : vector<16xi32> to vector<16xi32>
    %shift_right_logical3A_1030 = arith.constant 3 : i32
    %shift_right_logical3A_1031 = vector.broadcast %shift_right_logical3A_1030 : i32 to vector<16xi32>
    %shift_right_logical3A_1032 = arith.shrui %get3A_1029, %shift_right_logical3A_1031 : vector<16xi32>
    %shift_left3A_1033 = arith.constant 17 : i32
    %shift_left3A_1034 = vector.broadcast %shift_left3A_1033 : i32 to vector<16xi32>
    %shift_left3A_1035 = arith.shli %shift_right_logical3A_1032, %shift_left3A_1034 : vector<16xi32>
    %and3A_1036 = arith.constant 7 : i32
    %and3A_1037 = vector.broadcast %and3A_1036 : i32 to vector<16xi32>
    %and3A_1038 = arith.andi %get3A_1029, %and3A_1037 : vector<16xi32>
    %shift_left3A_1039 = arith.constant 7 : i32
    %shift_left3A_1040 = vector.broadcast %shift_left3A_1039 : i32 to vector<16xi32>
    %shift_left3A_1041 = arith.shli %and3A_1038, %shift_left3A_1040 : vector<16xi32>
    %add3A_1042 = arith.addi %shift_left3A_1035, %shift_left3A_1041 : vector<16xi32>
    %add3A_1043 = vector.broadcast %add3A_1026 : i32 to vector<16xi32>
    %add3A_1044 = arith.addi %iota3A, %add3A_1043 : vector<16xi32>
    %add3A_1045 = arith.addi %add3A_1042, %add3A_1044 : vector<16xi32>
    %swap3A_1046 = arith.constant 496 : index
    %swap3A_1047 = tpu.vector_load %arg6[%swap3A_1046] {strides = array<i32>} : memref<512xi32, #tpu.memory_space<vmem>>, vector<16xi32>,
    %swap3A_1048 = vector.shape_cast %swap3A_1047 : vector<16xi32> to vector<16xi32>
    %swap3A_1049 = vector.shape_cast %add3A_1045 : vector<16xi32> to vector<16xi32>
    tpu.vector_store %arg6[%swap3A_1046], %swap3A_1049 {strides = array<i32>} : memref<512xi32, #tpu.memory_space<vmem>>, vector<16xi32>,
    %dma_start3A_1050 = arith.constant 3 : i32
    %dma_start3A_1051 = arith.constant 384 : i32
    %dma_start3A_1052 = tpu.memref_slice %arg7[%dma_start3A_1051] : memref<512xf32, #tpu.memory_space<vmem>> -> memref<128xf32, #tpu.memory_space<vmem>>
    %dma_start3A_1053 = arith.constant 384 : i32
    %dma_start3A_1054 = tpu.memref_slice %arg6[%dma_start3A_1053] : memref<512xi32, #tpu.memory_space<vmem>> -> memref<128xi32, #tpu.memory_space<vmem>>
    %dma_start3A_1055 = arith.constant 0 : i32
    %dma_start3A_1056 = tpu.memref_slice %arg2[%dma_start3A_1055] : memref<16384000xf32, #tpu.memory_space<hbm>> -> memref<16384000xf32, #tpu.memory_space<hbm>>
    %dma_start3A_1057 = tpu.memref_slice %arg9[%dma_start3A_1050] : memref<4x!tpu.dma_semaphore, #tpu.memory_space<semaphore_mem>> -> memref<1x!tpu.dma_semaphore, #tpu.memory_space<semaphore_mem>>
    %dma_start3A_1058 = tpu.memref_squeeze %dma_start3A_1057 : memref<1x!tpu.dma_semaphore, #tpu.memory_space<semaphore_mem>> -> memref<!tpu.dma_semaphore, #tpu.memory_space<semaphore_mem>>
    tpu.enqueue_indirect_dma source(%dma_start3A_1056 : memref<16384000xf32, #tpu.memory_space<hbm>>) target(%dma_start3A_1052 : memref<128xf32, #tpu.memory_space<vmem>>) offsets(%dma_start3A_1054 : memref<128xi32, #tpu.memory_space<vmem>>) semaphore(%dma_start3A_1058 : memref<!tpu.dma_semaphore, #tpu.memory_space<semaphore_mem>>)
    %dma_wait3A_1059 = arith.constant 0 : i32
    %dma_wait3A_1060 = arith.constant 0 : i32
    %dma_wait3A_1061 = tpu.memref_slice %arg7[%dma_wait3A_1060] : memref<512xf32, #tpu.memory_space<vmem>> -> memref<128xf32, #tpu.memory_space<vmem>>
    %dma_wait3A_1062 = arith.constant 0 : i32
    %dma_wait3A_1063 = tpu.memref_slice %arg6[%dma_wait3A_1062] : memref<512xi32, #tpu.memory_space<vmem>> -> memref<128xi32, #tpu.memory_space<vmem>>
    %dma_wait3A_1064 = arith.constant 0 : i32
    %dma_wait3A_1065 = tpu.memref_slice %arg2[%dma_wait3A_1064] : memref<16384000xf32, #tpu.memory_space<hbm>> -> memref<16384000xf32, #tpu.memory_space<hbm>>
    %dma_wait3A_1066 = tpu.memref_slice %arg9[%dma_wait3A_1059] : memref<4x!tpu.dma_semaphore, #tpu.memory_space<semaphore_mem>> -> memref<1x!tpu.dma_semaphore, #tpu.memory_space<semaphore_mem>>
    %dma_wait3A_1067 = tpu.memref_squeeze %dma_wait3A_1066 : memref<1x!tpu.dma_semaphore, #tpu.memory_space<semaphore_mem>> -> memref<!tpu.dma_semaphore, #tpu.memory_space<semaphore_mem>>
    tpu.wait_indirect_dma semaphore(%dma_wait3A_1067 : memref<!tpu.dma_semaphore, #tpu.memory_space<semaphore_mem>>) src(%dma_wait3A_1065 : memref<16384000xf32, #tpu.memory_space<hbm>>) dst(%dma_wait3A_1061 : memref<128xf32, #tpu.memory_space<vmem>>)
    %add3A_1068 = arith.constant 0 : i32
    %add3A_1069 = arith.addi %mul3A_2, %add3A_1068 : i32
    %dma_start3A_1070 = arith.constant 0 : i32
    %dma_start3A_1071 = arith.constant 0 : i32
    %dma_start3A_1072 = tpu.memref_slice %arg7[%dma_start3A_1071] : memref<512xf32, #tpu.memory_space<vmem>> -> memref<128xf32, #tpu.memory_space<vmem>>
    %dma_start3A_1073 = tpu.memref_slice %arg4[%add3A_1069] : memref<16384xf32, #tpu.memory_space<hbm>> -> memref<128xf32, #tpu.memory_space<hbm>>
    %dma_start3A_1074 = tpu.memref_slice %arg10[%dma_start3A_1070] : memref<4x!tpu.dma_semaphore, #tpu.memory_space<semaphore_mem>> -> memref<1x!tpu.dma_semaphore, #tpu.memory_space<semaphore_mem>>
    %dma_start3A_1075 = tpu.memref_squeeze %dma_start3A_1074 : memref<1x!tpu.dma_semaphore, #tpu.memory_space<semaphore_mem>> -> memref<!tpu.dma_semaphore, #tpu.memory_space<semaphore_mem>>
    %dma_start3A_1076 = tpu.memref_slice %arg4[%add3A_1069] : memref<16384xf32, #tpu.memory_space<hbm>> -> memref<128xf32, #tpu.memory_space<hbm>>
    %dma_start3A_1077 = arith.constant 0 : i32
    %dma_start3A_1078 = tpu.memref_slice %arg7[%dma_start3A_1077] : memref<512xf32, #tpu.memory_space<vmem>> -> memref<128xf32, #tpu.memory_space<vmem>>
    tpu.enqueue_dma source(%dma_start3A_1078 : memref<128xf32, #tpu.memory_space<vmem>>) target(%dma_start3A_1076 : memref<128xf32, #tpu.memory_space<hbm>>) target_semaphore(%dma_start3A_1075 : memref<!tpu.dma_semaphore, #tpu.memory_space<semaphore_mem>>)
    %dma_wait3A_1079 = arith.constant 1 : i32
    %dma_wait3A_1080 = arith.constant 128 : i32
    %dma_wait3A_1081 = tpu.memref_slice %arg7[%dma_wait3A_1080] : memref<512xf32, #tpu.memory_space<vmem>> -> memref<128xf32, #tpu.memory_space<vmem>>
    %dma_wait3A_1082 = arith.constant 128 : i32
    %dma_wait3A_1083 = tpu.memref_slice %arg6[%dma_wait3A_1082] : memref<512xi32, #tpu.memory_space<vmem>> -> memref<128xi32, #tpu.memory_space<vmem>>
    %dma_wait3A_1084 = arith.constant 0 : i32
    %dma_wait3A_1085 = tpu.memref_slice %arg2[%dma_wait3A_1084] : memref<16384000xf32, #tpu.memory_space<hbm>> -> memref<16384000xf32, #tpu.memory_space<hbm>>
    %dma_wait3A_1086 = tpu.memref_slice %arg9[%dma_wait3A_1079] : memref<4x!tpu.dma_semaphore, #tpu.memory_space<semaphore_mem>> -> memref<1x!tpu.dma_semaphore, #tpu.memory_space<semaphore_mem>>
    %dma_wait3A_1087 = tpu.memref_squeeze %dma_wait3A_1086 : memref<1x!tpu.dma_semaphore, #tpu.memory_space<semaphore_mem>> -> memref<!tpu.dma_semaphore, #tpu.memory_space<semaphore_mem>>
    tpu.wait_indirect_dma semaphore(%dma_wait3A_1087 : memref<!tpu.dma_semaphore, #tpu.memory_space<semaphore_mem>>) src(%dma_wait3A_1085 : memref<16384000xf32, #tpu.memory_space<hbm>>) dst(%dma_wait3A_1081 : memref<128xf32, #tpu.memory_space<vmem>>)
    %add3A_1088 = arith.constant 128 : i32
    %add3A_1089 = arith.addi %mul3A_2, %add3A_1088 : i32
    %dma_start3A_1090 = arith.constant 1 : i32
    %dma_start3A_1091 = arith.constant 128 : i32
    %dma_start3A_1092 = tpu.memref_slice %arg7[%dma_start3A_1091] : memref<512xf32, #tpu.memory_space<vmem>> -> memref<128xf32, #tpu.memory_space<vmem>>
    %dma_start3A_1093 = tpu.memref_slice %arg4[%add3A_1089] : memref<16384xf32, #tpu.memory_space<hbm>> -> memref<128xf32, #tpu.memory_space<hbm>>
    %dma_start3A_1094 = tpu.memref_slice %arg10[%dma_start3A_1090] : memref<4x!tpu.dma_semaphore, #tpu.memory_space<semaphore_mem>> -> memref<1x!tpu.dma_semaphore, #tpu.memory_space<semaphore_mem>>
    %dma_start3A_1095 = tpu.memref_squeeze %dma_start3A_1094 : memref<1x!tpu.dma_semaphore, #tpu.memory_space<semaphore_mem>> -> memref<!tpu.dma_semaphore, #tpu.memory_space<semaphore_mem>>
    %dma_start3A_1096 = tpu.memref_slice %arg4[%add3A_1089] : memref<16384xf32, #tpu.memory_space<hbm>> -> memref<128xf32, #tpu.memory_space<hbm>>
    %dma_start3A_1097 = arith.constant 128 : i32
    %dma_start3A_1098 = tpu.memref_slice %arg7[%dma_start3A_1097] : memref<512xf32, #tpu.memory_space<vmem>> -> memref<128xf32, #tpu.memory_space<vmem>>
    tpu.enqueue_dma source(%dma_start3A_1098 : memref<128xf32, #tpu.memory_space<vmem>>) target(%dma_start3A_1096 : memref<128xf32, #tpu.memory_space<hbm>>) target_semaphore(%dma_start3A_1095 : memref<!tpu.dma_semaphore, #tpu.memory_space<semaphore_mem>>)
    %dma_wait3A_1099 = arith.constant 2 : i32
    %dma_wait3A_1100 = arith.constant 256 : i32
    %dma_wait3A_1101 = tpu.memref_slice %arg7[%dma_wait3A_1100] : memref<512xf32, #tpu.memory_space<vmem>> -> memref<128xf32, #tpu.memory_space<vmem>>
    %dma_wait3A_1102 = arith.constant 256 : i32
    %dma_wait3A_1103 = tpu.memref_slice %arg6[%dma_wait3A_1102] : memref<512xi32, #tpu.memory_space<vmem>> -> memref<128xi32, #tpu.memory_space<vmem>>
    %dma_wait3A_1104 = arith.constant 0 : i32
    %dma_wait3A_1105 = tpu.memref_slice %arg2[%dma_wait3A_1104] : memref<16384000xf32, #tpu.memory_space<hbm>> -> memref<16384000xf32, #tpu.memory_space<hbm>>
    %dma_wait3A_1106 = tpu.memref_slice %arg9[%dma_wait3A_1099] : memref<4x!tpu.dma_semaphore, #tpu.memory_space<semaphore_mem>> -> memref<1x!tpu.dma_semaphore, #tpu.memory_space<semaphore_mem>>
    %dma_wait3A_1107 = tpu.memref_squeeze %dma_wait3A_1106 : memref<1x!tpu.dma_semaphore, #tpu.memory_space<semaphore_mem>> -> memref<!tpu.dma_semaphore, #tpu.memory_space<semaphore_mem>>
    tpu.wait_indirect_dma semaphore(%dma_wait3A_1107 : memref<!tpu.dma_semaphore, #tpu.memory_space<semaphore_mem>>) src(%dma_wait3A_1105 : memref<16384000xf32, #tpu.memory_space<hbm>>) dst(%dma_wait3A_1101 : memref<128xf32, #tpu.memory_space<vmem>>)
    %add3A_1108 = arith.constant 256 : i32
    %add3A_1109 = arith.addi %mul3A_2, %add3A_1108 : i32
    %dma_start3A_1110 = arith.constant 2 : i32
    %dma_start3A_1111 = arith.constant 256 : i32
    %dma_start3A_1112 = tpu.memref_slice %arg7[%dma_start3A_1111] : memref<512xf32, #tpu.memory_space<vmem>> -> memref<128xf32, #tpu.memory_space<vmem>>
    %dma_start3A_1113 = tpu.memref_slice %arg4[%add3A_1109] : memref<16384xf32, #tpu.memory_space<hbm>> -> memref<128xf32, #tpu.memory_space<hbm>>
    %dma_start3A_1114 = tpu.memref_slice %arg10[%dma_start3A_1110] : memref<4x!tpu.dma_semaphore, #tpu.memory_space<semaphore_mem>> -> memref<1x!tpu.dma_semaphore, #tpu.memory_space<semaphore_mem>>
    %dma_start3A_1115 = tpu.memref_squeeze %dma_start3A_1114 : memref<1x!tpu.dma_semaphore, #tpu.memory_space<semaphore_mem>> -> memref<!tpu.dma_semaphore, #tpu.memory_space<semaphore_mem>>
    %dma_start3A_1116 = tpu.memref_slice %arg4[%add3A_1109] : memref<16384xf32, #tpu.memory_space<hbm>> -> memref<128xf32, #tpu.memory_space<hbm>>
    %dma_start3A_1117 = arith.constant 256 : i32
    %dma_start3A_1118 = tpu.memref_slice %arg7[%dma_start3A_1117] : memref<512xf32, #tpu.memory_space<vmem>> -> memref<128xf32, #tpu.memory_space<vmem>>
    tpu.enqueue_dma source(%dma_start3A_1118 : memref<128xf32, #tpu.memory_space<vmem>>) target(%dma_start3A_1116 : memref<128xf32, #tpu.memory_space<hbm>>) target_semaphore(%dma_start3A_1115 : memref<!tpu.dma_semaphore, #tpu.memory_space<semaphore_mem>>)
    %dma_wait3A_1119 = arith.constant 3 : i32
    %dma_wait3A_1120 = arith.constant 384 : i32
    %dma_wait3A_1121 = tpu.memref_slice %arg7[%dma_wait3A_1120] : memref<512xf32, #tpu.memory_space<vmem>> -> memref<128xf32, #tpu.memory_space<vmem>>
    %dma_wait3A_1122 = arith.constant 384 : i32
    %dma_wait3A_1123 = tpu.memref_slice %arg6[%dma_wait3A_1122] : memref<512xi32, #tpu.memory_space<vmem>> -> memref<128xi32, #tpu.memory_space<vmem>>
    %dma_wait3A_1124 = arith.constant 0 : i32
    %dma_wait3A_1125 = tpu.memref_slice %arg2[%dma_wait3A_1124] : memref<16384000xf32, #tpu.memory_space<hbm>> -> memref<16384000xf32, #tpu.memory_space<hbm>>
    %dma_wait3A_1126 = tpu.memref_slice %arg9[%dma_wait3A_1119] : memref<4x!tpu.dma_semaphore, #tpu.memory_space<semaphore_mem>> -> memref<1x!tpu.dma_semaphore, #tpu.memory_space<semaphore_mem>>
    %dma_wait3A_1127 = tpu.memref_squeeze %dma_wait3A_1126 : memref<1x!tpu.dma_semaphore, #tpu.memory_space<semaphore_mem>> -> memref<!tpu.dma_semaphore, #tpu.memory_space<semaphore_mem>>
    tpu.wait_indirect_dma semaphore(%dma_wait3A_1127 : memref<!tpu.dma_semaphore, #tpu.memory_space<semaphore_mem>>) src(%dma_wait3A_1125 : memref<16384000xf32, #tpu.memory_space<hbm>>) dst(%dma_wait3A_1121 : memref<128xf32, #tpu.memory_space<vmem>>)
    %add3A_1128 = arith.constant 384 : i32
    %add3A_1129 = arith.addi %mul3A_2, %add3A_1128 : i32
    %dma_start3A_1130 = arith.constant 3 : i32
    %dma_start3A_1131 = arith.constant 384 : i32
    %dma_start3A_1132 = tpu.memref_slice %arg7[%dma_start3A_1131] : memref<512xf32, #tpu.memory_space<vmem>> -> memref<128xf32, #tpu.memory_space<vmem>>
    %dma_start3A_1133 = tpu.memref_slice %arg4[%add3A_1129] : memref<16384xf32, #tpu.memory_space<hbm>> -> memref<128xf32, #tpu.memory_space<hbm>>
    %dma_start3A_1134 = tpu.memref_slice %arg10[%dma_start3A_1130] : memref<4x!tpu.dma_semaphore, #tpu.memory_space<semaphore_mem>> -> memref<1x!tpu.dma_semaphore, #tpu.memory_space<semaphore_mem>>
    %dma_start3A_1135 = tpu.memref_squeeze %dma_start3A_1134 : memref<1x!tpu.dma_semaphore, #tpu.memory_space<semaphore_mem>> -> memref<!tpu.dma_semaphore, #tpu.memory_space<semaphore_mem>>
    %dma_start3A_1136 = tpu.memref_slice %arg4[%add3A_1129] : memref<16384xf32, #tpu.memory_space<hbm>> -> memref<128xf32, #tpu.memory_space<hbm>>
    %dma_start3A_1137 = arith.constant 384 : i32
    %dma_start3A_1138 = tpu.memref_slice %arg7[%dma_start3A_1137] : memref<512xf32, #tpu.memory_space<vmem>> -> memref<128xf32, #tpu.memory_space<vmem>>
    tpu.enqueue_dma source(%dma_start3A_1138 : memref<128xf32, #tpu.memory_space<vmem>>) target(%dma_start3A_1136 : memref<128xf32, #tpu.memory_space<hbm>>) target_semaphore(%dma_start3A_1135 : memref<!tpu.dma_semaphore, #tpu.memory_space<semaphore_mem>>)
    %dma_wait3A_1139 = arith.constant 0 : i32
    %dma_wait3A_1140 = arith.constant 0 : i32
    %dma_wait3A_1141 = tpu.memref_slice %arg7[%dma_wait3A_1140] : memref<512xf32, #tpu.memory_space<vmem>> -> memref<128xf32, #tpu.memory_space<vmem>>
    %dma_wait3A_1142 = tpu.memref_slice %arg4[%add3A_1069] : memref<16384xf32, #tpu.memory_space<hbm>> -> memref<128xf32, #tpu.memory_space<hbm>>
    %dma_wait3A_1143 = tpu.memref_slice %arg10[%dma_wait3A_1139] : memref<4x!tpu.dma_semaphore, #tpu.memory_space<semaphore_mem>> -> memref<1x!tpu.dma_semaphore, #tpu.memory_space<semaphore_mem>>
    %dma_wait3A_1144 = tpu.memref_squeeze %dma_wait3A_1143 : memref<1x!tpu.dma_semaphore, #tpu.memory_space<semaphore_mem>> -> memref<!tpu.dma_semaphore, #tpu.memory_space<semaphore_mem>>
    %dma_wait3A_1145 = tpu.memref_slice %arg4[%add3A_1069] : memref<16384xf32, #tpu.memory_space<hbm>> -> memref<128xf32, #tpu.memory_space<hbm>>
    %dma_wait3A_1146 = arith.constant 0 : i32
    %dma_wait3A_1147 = tpu.memref_slice %arg7[%dma_wait3A_1146] : memref<512xf32, #tpu.memory_space<vmem>> -> memref<128xf32, #tpu.memory_space<vmem>>
    tpu.wait_dma2 semaphore(%dma_wait3A_1144 : memref<!tpu.dma_semaphore, #tpu.memory_space<semaphore_mem>>) src(%dma_wait3A_1147 : memref<128xf32, #tpu.memory_space<vmem>>) dst(%dma_wait3A_1145 : memref<128xf32, #tpu.memory_space<hbm>>)
    %dma_wait3A_1148 = arith.constant 1 : i32
    %dma_wait3A_1149 = arith.constant 128 : i32
    %dma_wait3A_1150 = tpu.memref_slice %arg7[%dma_wait3A_1149] : memref<512xf32, #tpu.memory_space<vmem>> -> memref<128xf32, #tpu.memory_space<vmem>>
    %dma_wait3A_1151 = tpu.memref_slice %arg4[%add3A_1089] : memref<16384xf32, #tpu.memory_space<hbm>> -> memref<128xf32, #tpu.memory_space<hbm>>
    %dma_wait3A_1152 = tpu.memref_slice %arg10[%dma_wait3A_1148] : memref<4x!tpu.dma_semaphore, #tpu.memory_space<semaphore_mem>> -> memref<1x!tpu.dma_semaphore, #tpu.memory_space<semaphore_mem>>
    %dma_wait3A_1153 = tpu.memref_squeeze %dma_wait3A_1152 : memref<1x!tpu.dma_semaphore, #tpu.memory_space<semaphore_mem>> -> memref<!tpu.dma_semaphore, #tpu.memory_space<semaphore_mem>>
    %dma_wait3A_1154 = tpu.memref_slice %arg4[%add3A_1089] : memref<16384xf32, #tpu.memory_space<hbm>> -> memref<128xf32, #tpu.memory_space<hbm>>
    %dma_wait3A_1155 = arith.constant 128 : i32
    %dma_wait3A_1156 = tpu.memref_slice %arg7[%dma_wait3A_1155] : memref<512xf32, #tpu.memory_space<vmem>> -> memref<128xf32, #tpu.memory_space<vmem>>
    tpu.wait_dma2 semaphore(%dma_wait3A_1153 : memref<!tpu.dma_semaphore, #tpu.memory_space<semaphore_mem>>) src(%dma_wait3A_1156 : memref<128xf32, #tpu.memory_space<vmem>>) dst(%dma_wait3A_1154 : memref<128xf32, #tpu.memory_space<hbm>>)
    %dma_wait3A_1157 = arith.constant 2 : i32
    %dma_wait3A_1158 = arith.constant 256 : i32
    %dma_wait3A_1159 = tpu.memref_slice %arg7[%dma_wait3A_1158] : memref<512xf32, #tpu.memory_space<vmem>> -> memref<128xf32, #tpu.memory_space<vmem>>
    %dma_wait3A_1160 = tpu.memref_slice %arg4[%add3A_1109] : memref<16384xf32, #tpu.memory_space<hbm>> -> memref<128xf32, #tpu.memory_space<hbm>>
    %dma_wait3A_1161 = tpu.memref_slice %arg10[%dma_wait3A_1157] : memref<4x!tpu.dma_semaphore, #tpu.memory_space<semaphore_mem>> -> memref<1x!tpu.dma_semaphore, #tpu.memory_space<semaphore_mem>>
    %dma_wait3A_1162 = tpu.memref_squeeze %dma_wait3A_1161 : memref<1x!tpu.dma_semaphore, #tpu.memory_space<semaphore_mem>> -> memref<!tpu.dma_semaphore, #tpu.memory_space<semaphore_mem>>
    %dma_wait3A_1163 = tpu.memref_slice %arg4[%add3A_1109] : memref<16384xf32, #tpu.memory_space<hbm>> -> memref<128xf32, #tpu.memory_space<hbm>>
    %dma_wait3A_1164 = arith.constant 256 : i32
    %dma_wait3A_1165 = tpu.memref_slice %arg7[%dma_wait3A_1164] : memref<512xf32, #tpu.memory_space<vmem>> -> memref<128xf32, #tpu.memory_space<vmem>>
    tpu.wait_dma2 semaphore(%dma_wait3A_1162 : memref<!tpu.dma_semaphore, #tpu.memory_space<semaphore_mem>>) src(%dma_wait3A_1165 : memref<128xf32, #tpu.memory_space<vmem>>) dst(%dma_wait3A_1163 : memref<128xf32, #tpu.memory_space<hbm>>)
    %dma_wait3A_1166 = arith.constant 3 : i32
    %dma_wait3A_1167 = arith.constant 384 : i32
    %dma_wait3A_1168 = tpu.memref_slice %arg7[%dma_wait3A_1167] : memref<512xf32, #tpu.memory_space<vmem>> -> memref<128xf32, #tpu.memory_space<vmem>>
    %dma_wait3A_1169 = tpu.memref_slice %arg4[%add3A_1129] : memref<16384xf32, #tpu.memory_space<hbm>> -> memref<128xf32, #tpu.memory_space<hbm>>
    %dma_wait3A_1170 = tpu.memref_slice %arg10[%dma_wait3A_1166] : memref<4x!tpu.dma_semaphore, #tpu.memory_space<semaphore_mem>> -> memref<1x!tpu.dma_semaphore, #tpu.memory_space<semaphore_mem>>
    %dma_wait3A_1171 = tpu.memref_squeeze %dma_wait3A_1170 : memref<1x!tpu.dma_semaphore, #tpu.memory_space<semaphore_mem>> -> memref<!tpu.dma_semaphore, #tpu.memory_space<semaphore_mem>>
    %dma_wait3A_1172 = tpu.memref_slice %arg4[%add3A_1129] : memref<16384xf32, #tpu.memory_space<hbm>> -> memref<128xf32, #tpu.memory_space<hbm>>
    %dma_wait3A_1173 = arith.constant 384 : i32
    %dma_wait3A_1174 = tpu.memref_slice %arg7[%dma_wait3A_1173] : memref<512xf32, #tpu.memory_space<vmem>> -> memref<128xf32, #tpu.memory_space<vmem>>
    tpu.wait_dma2 semaphore(%dma_wait3A_1171 : memref<!tpu.dma_semaphore, #tpu.memory_space<semaphore_mem>>) src(%dma_wait3A_1174 : memref<128xf32, #tpu.memory_space<vmem>>) dst(%dma_wait3A_1172 : memref<128xf32, #tpu.memory_space<hbm>>)
    return
  }
}

</mosaic_0001>

<sc_bundles>
// kernel: kernel.3.cloned.1.call-start
scs
__scs_entry_jumppad:
0x0: {  	(pc) =	sbr.rel $0x88, $3  }
0x1: {  	(tag) =	ssettag $0x0;
	lr =	simm.s32 $0x1  }
0x2: {  	[smem:$0x3F9F] =	sst lr;
	_ =	strace $0xD0000000  }
0x3: {  	_ = 	snop  }
0x4: {  	_ = 	snop  }
0x5: {  	_ = 	snop  }
0x6: {  	_ = 	snop  }
0x7: {  	_ = 	snop  }
__scs_overlays_trampoline_lowered:
0x8: {  	[smem:$0x3FAE] =	sst s0  }
0x9: {  	[smem:$0x3FAF] =	sst s1  }
0xa: {  	[smem:$0x3FB0] =	sst s2  }
0xb: {  	[smem:$0x3FB1] =	sst s3  }
0xc: {  	[smem:$0x3FB2] =	sst s4  }
0xd: {  	[smem:$0x3FB3] =	sst s5  }
0xe: {  	[smem:$0x3FB4] =	sst s6  }
0xf: {  	[smem:$0x3FB5] =	sst s7  }
0x10: {  	[smem:$0x3FB6] =	sst s8  }
0x11: {  	[smem:$0x3FB7] =	sst s9;
	s0 =	simm.s32 @!p0 $0x0  }
0x12: {  	s1 =	sld [smem:$0x3F9D];
	s0 =	simm.s32 @p0 $0x1  }
0x13: {  	[smem:$0x3FB8] =	sst s0;
	s0 =	simm.s32 @!p1 $0x0  }
0x14: {  	s2 =	sld [smem:$0x3F9C];
	s0 =	simm.s32 @p1 $0x1  }
0x15: {  	[smem:$0x3FB9] =	sst s0;
	s0 =	simm.s32 @!p2 $0x0  }
0x16: {  	s3 =	sld [smem:$0x3FDB];
	s0 =	simm.s32 @p2 $0x1  }
0x17: {  	s4 =	simm.s32 $0x1BF5;
	[smem:$0x3FBB] =	sst s0  }
0x18: {  	s0 =	sld [smem:$0x3F9E];
	_ =	swait.ge [sflag:s4], $0x0  }
0x19: {  	s7 =	sld [smem:$0x3F9F]  }
0x1a: {  	s8 =	sadd.s32 $0xFFFFE003, lr  }
0x1b: {  	s9 =	sadd.s32 $0xFFFFFEF7, lr;
	s5 =	simm.s32 $0xFFFFFFFF;
	p2 =	slt.u32 s8, $0xFFFFF086  }
0x1c: {  	p1 =	slt.u32 s9, $0xF7A;
	s5 =	simm.s32 @!p2 $0x0  }
0x1d: {  	s5 =	simm.s32 @p1 $0x1;
	p0 =	seq.s32 s7, s2  }
0x1e: {  	s7 =	smul.u32 @!p0 $0xF7A, s2;
	p2 =	seq.s32 @!p0 s5, $0x0  }
0x1f: {  	s9 =	smul.u32 $0xF7A, s1;
	s8 =	simm.s32 @!p0 $0x1BF5;
	p2 =	por !p2, p0  }
0x20: {  	[sflag:s8] =	ssyncset.s32 @!p0 $0xFFFFF086;
	s6 =	sadd.s32 @!p0 s3, s7;
	s7 =	simm.s32 @!p0 $0x108  }
0x21: {  	s3 =	sadd.s32 s3, s9;
	s6 =	sadd.s32 @!p0 $0x88, s6;
	s7 =	simm.s32 @p2 $0x1082  }
0x22: {  	[simem:s7], [sflag:s8] =	dma.local @!p0 [hbm:s6], $0xF7A  }
0x23: {  	s9 =	sor.u32 $0xD0000000, s2;
	s6 =	simm.s32 $0x108;
	_ =	swait.ge @!p0 [sflag:s8], $0x0  }
0x24: {  	s3 =	sadd.s32 $0x88, s3;
	s6 =	simm.s32 @!p1 $0x1082;
	[sflag:s4] =	ssyncset.s32 $0xFFFFF086  }
0x25: {  	[simem:s6], [sflag:s4] =	dma.local [hbm:s3], $0xF7A  }
0x26: {  	[smem:$0x3F9F] =	sst s1;
	(tag) =	ssettag s2;
	_ =	strace s9  }
0x27: {  	s1 =	sld [smem:$0x3FAF]  }
0x28: {  	s2 =	sld [smem:$0x3FB0]  }
0x29: {  	s4 =	sld [smem:$0x3FB2]  }
0x2a: {  	p0 =	seq.s32 s5, $0x0;
	s5 =	sld [smem:$0x3FB3]  }
0x2b: {  	s6 =	sld [smem:$0x3FB4]  }
0x2c: {  	s7 =	sld [smem:$0x3FB5]  }
0x2d: {  	s3 =	simm.s32 $0x108;
	s8 =	sld [smem:$0x3FB6]  }
0x2e: {  	s3 =	simm.s32 @!p0 $0x1082;
	s9 =	sld [smem:$0x3FB7]  }
0x2f: {  	lr =	sadd.s32 s0, s3;
	s0 =	sld [smem:$0x3FAE]  }
0x30: {  	s3 =	sld [smem:$0x3FB1]  }
0x31: {  	[smem:$0x3FBA] =	sst s10  }
0x32: {  	s10 =	sld [smem:$0x3FB8];
	_ =	sdelay $0x3  }
0x33: {  	p0 =	seq.s32 s10, $0x1;
	s10 =	sld [smem:$0x3FBA];
	_ =	sdelay $0x3  }
0x34: {  	[smem:$0x3FBA] =	sst s10  }
0x35: {  	s10 =	sld [smem:$0x3FB9];
	_ =	sdelay $0x3  }
0x36: {  	p1 =	seq.s32 s10, $0x1;
	s10 =	sld [smem:$0x3FBA];
	_ =	sdelay $0x3  }
0x37: {  	[smem:$0x3FBA] =	sst s10  }
0x38: {  	s10 =	sld [smem:$0x3FBB]  }
0x39: {  	_ = 	snop;
	(pc) =	sbr.ind lr, $3  }
0x3a: {  	_ = 	snop  }
0x3b: {  	_ = 	snop  }
0x3c: {  	p2 =	seq.s32 s10, $0x1;
	s10 =	sld [smem:$0x3FBA]  }
0x3d: {  	_ =	shalt  }
0x3e: {  	_ =	shalt  }
0x3f: {  	_ =	shalt  }
0x40: {  	_ =	shalt  }
0x41: {  	_ =	shalt  }
0x42: {  	_ =	shalt  }
0x43: {  	_ =	shalt  }
0x44: {  	_ =	shalt  }
0x45: {  	_ =	shalt  }
0x46: {  	_ =	shalt  }
0x47: {  	_ =	shalt  }
0x48: {  	_ =	shalt  }
0x49: {  	_ =	shalt  }
0x4a: {  	_ =	shalt  }
0x4b: {  	_ =	shalt  }
0x4c: {  	_ =	shalt  }
0x4d: {  	_ =	shalt  }
0x4e: {  	_ =	shalt  }
0x4f: {  	_ =	shalt  }
0x50: {  	_ =	shalt  }
0x51: {  	_ =	shalt  }
0x52: {  	_ =	shalt  }
0x53: {  	_ =	shalt  }
0x54: {  	_ =	shalt  }
0x55: {  	_ =	shalt  }
0x56: {  	_ =	shalt  }
0x57: {  	_ =	shalt  }
0x58: {  	_ =	shalt  }
0x59: {  	_ =	shalt  }
0x5a: {  	_ =	shalt  }
0x5b: {  	_ =	shalt  }
0x5c: {  	_ =	shalt  }
0x5d: {  	_ =	shalt  }
0x5e: {  	_ =	shalt  }
0x5f: {  	_ =	shalt  }
0x60: {  	_ =	shalt  }
0x61: {  	_ =	shalt  }
0x62: {  	_ =	shalt  }
0x63: {  	_ =	shalt  }
0x64: {  	_ =	shalt  }
0x65: {  	_ =	shalt  }
0x66: {  	_ =	shalt  }
0x67: {  	_ =	shalt  }
0x68: {  	_ =	shalt  }
0x69: {  	_ =	shalt  }
0x6a: {  	_ =	shalt  }
0x6b: {  	_ =	shalt  }
0x6c: {  	_ =	shalt  }
0x6d: {  	_ =	shalt  }
0x6e: {  	_ =	shalt  }
0x6f: {  	_ =	shalt  }
0x70: {  	_ =	shalt  }
0x71: {  	_ =	shalt  }
0x72: {  	_ =	shalt  }
0x73: {  	_ =	shalt  }
0x74: {  	_ =	shalt  }
0x75: {  	_ =	shalt  }
0x76: {  	_ =	shalt  }
0x77: {  	_ =	shalt  }
0x78: {  	_ =	shalt  }
0x79: {  	_ =	shalt  }
0x7a: {  	_ =	shalt  }
0x7b: {  	_ =	shalt  }
0x7c: {  	_ =	shalt  }
0x7d: {  	_ =	shalt  }
0x7e: {  	_ =	shalt  }
0x7f: {  	_ =	shalt  }
0x80: {  	_ =	shalt  }
0x81: {  	_ =	shalt  }
0x82: {  	_ =	shalt  }
0x83: {  	_ =	shalt  }
0x84: {  	_ =	shalt  }
0x85: {  	_ =	shalt  }
0x86: {  	_ =	shalt  }
0x87: {  	_ =	shalt  }
.Lfunc_end0:
.L_simem_size_0:
called_computation_lowered:
.L_overlay_start_0:
0x88: {  	s2 =	sld [smem:$0x3FD9]  }
0x89: {  	s3 =	sld [smem:$0x3FFE];
	_ =	sdelay $0x1  }
0x8a: {  	s1 =	srdreg.scid  }
0x8b: {  	s0 =	sand.u32 $0x1, s1  }
0x8c: {  	s18 =	sshll.u32 s0, $0xA;
	s2 =	sadd.s32 s3, s2  }
0x8d: {  	s2 =	sadd.s32 s2, s18  }
0x8e: {  	[smem:$0x3FC6] =	sst s2  }
0x8f: {  	_ = 	snop  }
0x90: {  	s2 =	sld [smem:$0x3FC9]  }
0x91: {  	s19 =	sld [smem:$0x3FC8]  }
0x92: {  	s4 =	sld [smem:$0x3FD0];
	(tm) =	ssettm $0x1  }
0x93: {  	s5 =	sld [smem:$0x3FFB];
	_ =	sdelay $0x3  }
0x94: {  	_ =	strace s5  }
0x95: {  	s5 =	sld [smem:$0x3FFC];
	_ =	sdelay $0x3  }
0x96: {  	_ =	strace s5  }
0x97: {  	s5 =	sld [smem:$0x3FFD];
	_ =	sdelay $0x3  }
0x98: {  	_ =	strace s5  }
0x99: {  	_ =	strace $0x8FFFFFFF  }
0x9a: {  	s20 =	sld [smem:$0x3FDB];
	_ =	sdelay $0x1  }
0x9b: {  	s6 =	simm.s32 $_scs_section_size  }
0x9c: {  	s7 =	simm.s32 $_size__tile_overlayer_lowered;
	s8 =	simm.s32 $_tile_overlayer_lowered  }
0x9d: {  	s23 =	simm.s32 $0x1BFF;
	s22 =	sshll.u32 s8, $0x1;
	s5 =	sadd.s32 s6, s20  }
0x9e: {  	s9 =	simm.s32 $0x0;
	s21 =	sshll.u32 s7, $0x1;
	s7 =	sadd.s32 s22, s5  }
0x9f: {  	[timem:s9], [sflag:s23] =	dma.local [hbm:s7], s21  }
0xa0: {  	_ =	swait.ge [sflag:s23], s21  }
0xa1: {  	s6 =	ssub.s32 $0x0, s21;
	[sflag:s23] =	ssyncset.done $0x0  }
0xa2: {  	[sflag:s23] =	ssyncadd.s32 s6;
	_ =	sdelay $0x1  }
0xa3: {  	s24 =	simm.s32 $0x1B8B  }
0xa4: {  	_ =	swait.ge [sflag:s24], $0x1  }
0xa5: {  	[sflag:s24] =	ssyncset.done $0x0  }
0xa6: {  	s25 =	simm.s32 $0x1B8E;
	[sflag:s24] =	ssyncadd.s32 $0xFFFFFFFF  }
0xa7: {  	s26 =	simm.s32 $execute0_lowered;
	[smem:$0x3FD2] =	sst s25  }
0xa8: {  	s6 =	sshll.u32 s26, $0x1;
	_ =	strace $0x80000046;
	[dreg:$0x1] =	wrdreg $0xFFFFFFFF  }
0xa9: {  	s28 =	simm.s32 $_size_execute0_lowered;
	s5 =	sadd.s32 s5, s6;
	[dreg:$0x0] =	wrdreg $0x0  }
0xaa: {  	s6 =	sshll.u32 s28, $0x1;
	[dreg:$0x2] =	wrdreg s5  }
0xab: {  	[dreg:$0x3] =	wrdreg s6  }
0xac: {  	[dreg:$0x4] =	wrdreg $0xC0  }
0xad: {  	_ =	task [dreg:s9], $0x5FFFF  }
0xae: {  	[dreg:$0x1] =	wrdreg $0xFFFFFFFF  }
0xaf: {  	[dreg:$0x0] =	wrdreg $0x60  }
0xb0: {  	[dreg:$0x2] =	wrdreg s2  }
0xb1: {  	[dreg:$0x3] =	wrdreg s19  }
0xb2: {  	[dreg:$0x4] =	wrdreg s4  }
0xb3: {  	[dreg:$0x5] =	wrdreg $0x9  }
0xb4: {  	_ =	task.clear_ibuf [dreg:s9], $0x6FFFF;
	_ =	strace $0x90000046  }
0xb5: {  	s29 =	simm.s32 $0x9;
	_ =	strace $0x80000048  }
0xb6: {  	_ =	swait.ge [sflag:s29], $0x1  }
0xb7: {  	[sflag:s29] =	ssyncadd.s32 $0xFFFFFFFF  }
0xb8: {  	_ =	strace $0x90000048  }
0xb9: {  	_ =	sfence  }
0xba: {  	s30 =	sld [smem:$0x0];
	_ =	sdelay $0x2  }
0xbb: {  	s31 =	sshll.u32 s1, $0xD;
	s1 =	sshrl.u32 s1, $0x2  }
0xbc: {  	s3 =	sand.u32 $0x4000, s31;
	s1 =	sadd.s32 s1, s30  }
0xbd: {  	s0 =	sor.u32 s3, s0;
	s1 =	sshll.u32 s1, $0x11  }
0xbe: {  	s0 =	sor.u32 s1, s0  }
0xbf: {  	s0 =	sadd.s32 $0x8F2B, s0  }
0xc0: {  	[sflag:s0] =	ssyncadd.remote.s32 $0x1  }
0xc1: {  	_ =	sfence.sel $0xFFFF  }
0xc2: {  	[dreg:$0x0] =	wrdreg $0xFFFFFFFF;
	(pc) =	sbr.abs _section_cstart, $3  }
0xc3: {  	[dreg:$0x1] =	wrdreg $0xFFFFFFFF  }
0xc4: {  	_ =	task.clear_ibuf [dreg:s9], $0x2FFFF;
	_ =	strace $0x9FFFFFFF  }
0xc5: {  	(tm) =	ssettm $0x7FFFFFFF  }
tec
execute0_lowered:
.L_overlay_start_1:
0x0: {  	(tag) =	ssettag $0x1  }
0x1: {  	s1 =	rddreg [dreg:$0x0]  }
0x2: {  	s4 =	rddreg [dreg:$0x1]  }
0x3: {  	s8 =	rddreg [dreg:$0x2];
	s3 =	srdreg.scid  }
0x4: {  	s0 =	stileid.u32;
	s5 =	sand.u32 $0x1, s3;
	s3 =	simm.s32 $0x0  }
0x5: {  	s6 =	sshll.u32 s0, $0xA;
	s7 =	sshll.u32 s5, $0x9;
	s5 =	ssub.s32 $0x2, s5  }
0x6: {  	[smem:$0x7FF] =	sst s3;
	s6 =	sor.u32 s7, s6;
	s25 =	sshrl.u32 s5, $0x1  }
0x7: {  	_ =	strace $0x80000047;
	s9 =	sshrl.u32 s6, $0x3;
	s26 =	ssub.s32 s5, s25  }
0x8: {  	s11 =	sshll.u32 s6, $0x3;
	s29 =	sor.u32 $0x80, s6;
	s24 =	sor.u32 $0x100, s6  }
0x9: {  	s25 =	sor.u32 $0x180, s6;
	[dreg:$0x4] =	wrdreg s26;
	s4 =	sadd.s32 s4, s9  }
0xa: {  	s12 =	sor.u32 $0x10, s11;
	s13 =	sor.u32 $0x20, s11;
	s14 =	sor.u32 $0x30, s11  }
0xb: {  	s15 =	sor.u32 $0x40, s11;
	s16 =	sor.u32 $0x50, s11;
	s17 =	sor.u32 $0x60, s11  }
0xc: {  	s18 =	sor.u32 $0x70, s11;
	s19 =	sshll.u32 s29, $0x3;
	s20 =	sor.u32 $0x410, s11  }
0xd: {  	s21 =	sor.u32 $0x420, s11;
	s22 =	sor.u32 $0x430, s11;
	s10 =	sor.u32 $0x440, s11  }
0xe: {  	s5 =	sadd.s32 s8, s9;
	s30 =	sshrl.u32 s29, $0x3;
	s31 =	sshrl.u32 s24, $0x3  }
0xf: {  	s0 =	sshrl.u32 s25, $0x3;
	s9 =	sor.u32 $0x450, s11;
	s24 =	sshll.u32 s24, $0x3  }
0x10: {  	s2 =	sshll.u32 s25, $0x3;
	s26 =	sor.u32 $0x460, s11;
	s28 =	sor.u32 $0x470, s11  }
0x11: {  	s29 =	sor.u32 $0x820, s11;
	s23 =	sor.u32 $0xC40, s11;
	s25 =	sor.u32 $0xC60, s11  }
0x12: {  	v31 =	vlaneseq.u32;
	s6 =	sadd.s32 s8, s30;
	s7 =	sadd.s32 s8, s31;
	s8 =	sadd.s32 s8, s0  }
0x13: {  	[dreg:$0x5] =	wrdreg s2;
	v1 =	vor.u32 s13, v31;
	s13 =	sor.u32 $0x810, s11;
	s30 =	sor.u32 $0x830, s11  }
0x14: {  	v4 =	vor.u32 s16, v31;
	s16 =	sor.u32 $0x840, s11;
	s31 =	sor.u32 $0x850, s11;
	s0 =	sor.u32 $0x860, s11  }
0x15: {  	v5 =	vor.u32 s17, v31;
	v7 =	vor.u32 s19, v31;
	s19 =	sor.u32 $0x870, s11;
	s2 =	sor.u32 $0xC10, s11;
	s17 =	sor.u32 $0xC20, s11  }
0x16: {  	v6 =	vor.u32 s18, v31;
	v8 =	vor.u32 s20, v31;
	v10 =	vor.u32 s22, v31;
	s22 =	sor.u32 $0xC30, s11;
	s18 =	sor.u32 $0xC50, s11;
	s20 =	sor.u32 $0xC70, s11  }
0x17: {  	v13 =	vor.u32 s11, v31;
	v9 =	vor.u32 s21, v31;
	v11 =	vor.u32 s10, v31;
	s21 =	rddreg [dreg:$0x4];
	s10 =	simm.s32 $0x1;
	s11 =	simm.s32 $0x80  }
0x18: {  	v0 =	vor.u32 s12, v31;
	v2 =	vor.u32 s14, v31;
	s12 =	simm.s32 $0x200;
	s14 =	simm.s32 $0x280;
	[dreg:$0x6] =	wrdreg s17  }
0x19: {  	v3 =	vor.u32 s15, v31;
	s15 =	simm.s32 $0x480;
	v28 =	vor.u32 s23, v31;
	s23 =	simm.s32 $0x5;
	[dreg:$0x7] =	wrdreg s18  }
0x1a: {  	v12 =	vor.u32 s9, v31;
	v16 =	vor.u32 s24, v31;
	s24 =	simm.s32 $0x6;
	v30 =	vor.u32 s25, v31;
	s25 =	simm.s32 $0x7;
	[dreg:$0x8] =	wrdreg s20  }
0x1b: {  	v14 =	vor.u32 s26, v31;
	v15 =	vor.u32 s28, v31;
	v18 =	vor.u32 s29, v31;
	s28 =	simm.s32 $0x9;
	s9 =	smax.u32 s21, $0x1;
	s26 =	rddreg [dreg:$0x5]  }
0x1c: {  	v17 =	vor.u32 s13, v31;
	v19 =	vor.u32 s30, v31;
	s13 =	simm.s32 $0x400;
	v20 =	vor.u32 s16, v31;
	s16 =	simm.s32 $0x300;
	s29 =	rddreg [dreg:$0x6]  }
0x1d: {  	v21 =	vor.u32 s31, v31;
	v22 =	vor.u32 s0, v31;
	s17 =	simm.s32 $0x500;
	s18 =	simm.s32 $0x380;
	v23 =	vor.u32 s19, v31;
	s30 =	rddreg [dreg:$0x7]  }
0x1e: {  	v25 =	vor.u32 s2, v31;
	s19 =	simm.s32 $0x580;
	s20 =	simm.s32 $0x2;
	v27 =	vor.u32 s22, v31;
	v24 =	vor.u32 s26, v31;
	s31 =	rddreg [dreg:$0x8]  }
0x1f: {  	s21 =	simm.s32 $0x3;
	s22 =	simm.s32 $0x4;
	s26 =	simm.s32 $0x8;
	v26 =	vor.u32 s29, v31;
	v29 =	vor.u32 s30, v31;
	v31 =	vor.u32 s31, v31  }
.LBB2_1:
0x20: {  	[tilespmem:s3], [sflag:$0x1] =	stream.linear.gather [hbm4b:s4+s3], $0x200, $0x38;
	[tilespmem:$0x600] =	vst v63  }
0x21: {  	_ =	swait.ge [sflag:s10], $0x200  }
0x22: {  	[sflag:s10] =	ssyncset.done $0x0  }
0x23: {  	[sflag:s10] =	ssyncadd.s32 $0xFFFFFE00  }
0x24: {  	v32 =	vld [tilespmem:$0x0]  }
0x25: {  	v33 =	vld [tilespmem:$0x10]  }
0x26: {  	v34 =	vld [tilespmem:$0x20]  }
0x27: {  	v36 =	vld [tilespmem:$0x30]  }
0x28: {  	v59 =	vld [tilespmem:$0x40]  }
0x29: {  	v38 =	vld [tilespmem:$0x50]  }
0x2a: {  	v63 =	vld [tilespmem:$0x60]  }
0x2b: {  	v40 =	vld [tilespmem:$0x70]  }
0x2c: {  	v35 =	vshll.u32 v32, $0xE;
	v32 =	vshll.u32 v32, $0x7  }
0x2d: {  	v37 =	vshll.u32 v33, $0x7;
	v33 =	vshll.u32 v33, $0xE;
	v60 =	vshll.u32 v34, $0xE  }
0x2e: {  	v34 =	vshll.u32 v34, $0x7;
	v39 =	vshll.u32 v36, $0x7;
	v36 =	vshll.u32 v36, $0xE  }
0x2f: {  	v44 =	vshll.u32 v59, $0xE;
	v41 =	vshll.u32 v38, $0x7;
	v46 =	vshll.u32 v38, $0xE  }
0x30: {  	v50 =	vshll.u32 v63, $0xE;
	v51 =	vshll.u32 v63, $0x7;
	v53 =	vshll.u32 v40, $0x7  }
0x31: {  	v55 =	vshll.u32 v40, $0xE;
	v35 =	vand.u32 $0xFFFE0000, v35;
	v32 =	vand.u32 $0x380, v32  }
0x32: {  	v37 =	vand.u32 $0x380, v37;
	v33 =	vand.u32 $0xFFFE0000, v33;
	v34 =	vand.u32 $0x380, v34  }
0x33: {  	v39 =	vand.u32 $0x380, v39;
	v61 =	vand.u32 $0xFFFE0000, v36;
	v36 =	vand.u32 $0xFFFE0000, v44  }
0x34: {  	v47 =	vand.u32 $0x380, v41;
	v48 =	vand.u32 $0xFFFE0000, v46;
	v32 =	vor.u32 v32, v13  }
0x35: {  	v52 =	vand.u32 $0x380, v51;
	v58 =	vor.u32 v37, v0;
	v32 =	vor.u32 v35, v32  }
0x36: {  	v34 =	vor.u32 v34, v1;
	v33 =	vadd.s32 v33, v58;
	v35 =	vand.u32 $0xFFFE0000, v60;
	[tilespmem:$0x200] =	vst v32  }
0x37: {  	v62 =	vor.u32 v39, v2;
	v37 =	vshll.u32 v59, $0x7;
	v34 =	vadd.s32 v35, v34;
	[tilespmem:$0x210] =	vst v33  }
0x38: {  	v49 =	vor.u32 v47, v4;
	v37 =	vand.u32 $0x380, v37;
	v35 =	vadd.s32 v61, v62;
	[tilespmem:$0x220] =	vst v34  }
0x39: {  	v54 =	vor.u32 v52, v5;
	v45 =	vor.u32 v37, v3;
	v33 =	vadd.s32 v48, v49;
	[tilespmem:$0x230] =	vst v35  }
0x3a: {  	v32 =	vadd.s32 v36, v45;
	v34 =	vand.u32 $0xFFFE0000, v50;
	v36 =	vand.u32 $0x380, v53;
	[tilespmem:$0x250] =	vst v33  }
0x3b: {  	v56 =	vand.u32 $0xFFFE0000, v55;
	[tilespmem:$0x240] =	vst v32;
	v32 =	vadd.s32 v34, v54;
	v57 =	vor.u32 v36, v6  }
0x3c: {  	[tilespmem:$0x260] =	vst v32;
	v58 =	vadd.s32 v56, v57  }
0x3d: {  	[tilespmem:$0x270] =	vst v58  }
0x3e: {  	[tilespmem:s13], [sflag:$0x2] =	stream.indirect.gather [hbm4b:s1+s11], $0x1, s12, s11, $0xb8;
	[tilespmem:$0x600] =	vst v63  }
0x3f: {  	v59 =	vld [tilespmem:$0x80]  }
0x40: {  	v60 =	vld [tilespmem:$0x90]  }
0x41: {  	v61 =	vld [tilespmem:$0xA0]  }
0x42: {  	v63 =	vld [tilespmem:$0xB0]  }
0x43: {  	v44 =	vld [tilespmem:$0xC0]  }
0x44: {  	v46 =	vld [tilespmem:$0xD0]  }
0x45: {  	v50 =	vld [tilespmem:$0xE0]  }
0x46: {  	v52 =	vld [tilespmem:$0xF0]  }
0x47: {  	v62 =	vshll.u32 v59, $0xE;
	v32 =	vshll.u32 v59, $0x7  }
0x48: {  	v42 =	vshll.u32 v60, $0x7;
	v33 =	vshll.u32 v60, $0xE;
	v45 =	vshll.u32 v61, $0xE  }
0x49: {  	v34 =	vshll.u32 v61, $0x7;
	v47 =	vshll.u32 v63, $0x7;
	v36 =	vshll.u32 v63, $0xE  }
0x4a: {  	v51 =	vshll.u32 v44, $0xE;
	v53 =	vshll.u32 v46, $0x7;
	v55 =	vshll.u32 v46, $0xE  }
0x4b: {  	v59 =	vshll.u32 v50, $0xE;
	v60 =	vshll.u32 v50, $0x7;
	v41 =	vshll.u32 v52, $0xE  }
0x4c: {  	v35 =	vand.u32 $0xFFFE0000, v62;
	v32 =	vand.u32 $0x380, v32;
	v37 =	vand.u32 $0x380, v42  }
0x4d: {  	v33 =	vand.u32 $0xFFFE0000, v33;
	v34 =	vand.u32 $0x380, v34;
	v39 =	vand.u32 $0x380, v47  }
0x4e: {  	v48 =	vand.u32 $0xFFFE0000, v36;
	v36 =	vand.u32 $0xFFFE0000, v51;
	v56 =	vand.u32 $0x380, v53  }
0x4f: {  	v57 =	vand.u32 $0xFFFE0000, v55;
	v61 =	vand.u32 $0x380, v60;
	v32 =	vor.u32 v32, v7  }
0x50: {  	v62 =	vshll.u32 v52, $0x7;
	v43 =	vor.u32 v37, v8;
	v32 =	vadd.s32 v35, v32  }
0x51: {  	v34 =	vor.u32 v34, v9;
	v33 =	vadd.s32 v33, v43;
	v35 =	vand.u32 $0xFFFE0000, v45;
	[tilespmem:$0x280] =	vst v32  }
0x52: {  	v49 =	vor.u32 v39, v10;
	v37 =	vshll.u32 v44, $0x7;
	v34 =	vadd.s32 v35, v34;
	[tilespmem:$0x290] =	vst v33  }
0x53: {  	v58 =	vor.u32 v56, v12;
	v37 =	vand.u32 $0x380, v37;
	v35 =	vadd.s32 v48, v49;
	[tilespmem:$0x2A0] =	vst v34  }
0x54: {  	v63 =	vor.u32 v61, v14;
	v54 =	vor.u32 v37, v11;
	v33 =	vadd.s32 v57, v58;
	[tilespmem:$0x2B0] =	vst v35  }
0x55: {  	v32 =	vadd.s32 v36, v54;
	v34 =	vand.u32 $0xFFFE0000, v59;
	v36 =	vand.u32 $0x380, v62;
	[tilespmem:$0x2D0] =	vst v33  }
0x56: {  	v42 =	vand.u32 $0xFFFE0000, v41;
	[tilespmem:$0x2C0] =	vst v32;
	v32 =	vadd.s32 v34, v63;
	v43 =	vor.u32 v36, v15  }
0x57: {  	[tilespmem:$0x2E0] =	vst v32;
	v44 =	vadd.s32 v42, v43  }
0x58: {  	[tilespmem:$0x2F0] =	vst v44  }
0x59: {  	[tilespmem:s15], [sflag:$0x3] =	stream.indirect.gather [hbm4b:s1+s11], $0x1, s14, s11, $0xb8;
	[tilespmem:$0x600] =	vst v63  }
0x5a: {  	v45 =	vld [tilespmem:$0x100]  }
0x5b: {  	v46 =	vld [tilespmem:$0x110]  }
0x5c: {  	v47 =	vld [tilespmem:$0x120]  }
0x5d: {  	v49 =	vld [tilespmem:$0x130]  }
0x5e: {  	v52 =	vld [tilespmem:$0x140]  }
0x5f: {  	v54 =	vld [tilespmem:$0x150]  }
0x60: {  	v58 =	vld [tilespmem:$0x160]  }
0x61: {  	v48 =	vshll.u32 v45, $0xE;
	v32 =	vshll.u32 v45, $0x7  }
0x62: {  	v50 =	vshll.u32 v46, $0x7;
	v33 =	vshll.u32 v46, $0xE;
	v53 =	vshll.u32 v47, $0xE  }
0x63: {  	v34 =	vshll.u32 v47, $0x7;
	v55 =	vshll.u32 v49, $0x7;
	v36 =	vshll.u32 v49, $0xE  }
0x64: {  	v60 =	vld [tilespmem:$0x170];
	v59 =	vshll.u32 v52, $0xE;
	v61 =	vshll.u32 v54, $0x7;
	v63 =	vshll.u32 v54, $0xE  }
0x65: {  	v45 =	vshll.u32 v58, $0xE;
	v46 =	vshll.u32 v58, $0x7;
	v35 =	vand.u32 $0xFFFE0000, v48  }
0x66: {  	v32 =	vand.u32 $0x380, v32;
	v37 =	vand.u32 $0x380, v50;
	v33 =	vand.u32 $0xFFFE0000, v33  }
0x67: {  	v34 =	vand.u32 $0x380, v34;
	v39 =	vand.u32 $0x380, v55;
	v56 =	vand.u32 $0xFFFE0000, v36  }
0x68: {  	v36 =	vand.u32 $0xFFFE0000, v59;
	v42 =	vand.u32 $0x380, v61;
	v43 =	vand.u32 $0xFFFE0000, v63  }
0x69: {  	v47 =	vand.u32 $0x380, v46;
	v48 =	vshll.u32 v60, $0x7;
	v32 =	vor.u32 v32, v16  }
0x6a: {  	v50 =	vshll.u32 v60, $0xE;
	v51 =	vor.u32 v37, v17;
	v32 =	vadd.s32 v35, v32  }
0x6b: {  	v34 =	vor.u32 v34, v18;
	v33 =	vadd.s32 v33, v51;
	v35 =	vand.u32 $0xFFFE0000, v53;
	[tilespmem:$0x300] =	vst v32  }
0x6c: {  	v57 =	vor.u32 v39, v19;
	v37 =	vshll.u32 v52, $0x7;
	v34 =	vadd.s32 v35, v34;
	[tilespmem:$0x310] =	vst v33  }
0x6d: {  	v44 =	vor.u32 v42, v21;
	v37 =	vand.u32 $0x380, v37;
	v35 =	vadd.s32 v56, v57;
	[tilespmem:$0x320] =	vst v34  }
0x6e: {  	v49 =	vor.u32 v47, v22;
	v62 =	vor.u32 v37, v20;
	v33 =	vadd.s32 v43, v44;
	[tilespmem:$0x330] =	vst v35  }
0x6f: {  	v32 =	vadd.s32 v36, v62;
	v34 =	vand.u32 $0xFFFE0000, v45;
	v36 =	vand.u32 $0x380, v48;
	[tilespmem:$0x350] =	vst v33  }
0x70: {  	v51 =	vand.u32 $0xFFFE0000, v50;
	[tilespmem:$0x340] =	vst v32;
	v32 =	vadd.s32 v34, v49;
	v52 =	vor.u32 v36, v23  }
0x71: {  	[tilespmem:$0x360] =	vst v32;
	v53 =	vadd.s32 v51, v52  }
0x72: {  	[tilespmem:$0x370] =	vst v53  }
0x73: {  	[tilespmem:s17], [sflag:$0x4] =	stream.indirect.gather [hbm4b:s1+s11], $0x1, s16, s11, $0xb8;
	[tilespmem:$0x600] =	vst v63  }
0x74: {  	v54 =	vld [tilespmem:$0x180]  }
0x75: {  	v55 =	vld [tilespmem:$0x190]  }
0x76: {  	v56 =	vld [tilespmem:$0x1A0]  }
0x77: {  	v58 =	vld [tilespmem:$0x1B0]  }
0x78: {  	v61 =	vld [tilespmem:$0x1C0]  }
0x79: {  	v63 =	vld [tilespmem:$0x1D0]  }
0x7a: {  	v46 =	vld [tilespmem:$0x1E0]  }
0x7b: {  	v48 =	vld [tilespmem:$0x1F0]  }
0x7c: {  	v57 =	vshll.u32 v54, $0xE;
	v32 =	vshll.u32 v54, $0x7  }
0x7d: {  	v59 =	vshll.u32 v55, $0x7;
	v33 =	vshll.u32 v55, $0xE;
	v62 =	vshll.u32 v56, $0xE  }
0x7e: {  	v34 =	vshll.u32 v56, $0x7;
	v43 =	vshll.u32 v58, $0x7;
	v36 =	vshll.u32 v58, $0xE  }
0x7f: {  	v47 =	vshll.u32 v61, $0xE;
	v49 =	vshll.u32 v63, $0x7;
	v51 =	vshll.u32 v63, $0xE  }
0x80: {  	v55 =	vshll.u32 v46, $0xE;
	v56 =	vshll.u32 v46, $0x7;
	v58 =	vshll.u32 v48, $0x7  }
0x81: {  	v35 =	vand.u32 $0xFFFE0000, v57;
	v32 =	vand.u32 $0x380, v32;
	v37 =	vand.u32 $0x380, v59  }
0x82: {  	v33 =	vand.u32 $0xFFFE0000, v33;
	v34 =	vand.u32 $0x380, v34;
	v39 =	vand.u32 $0x380, v43  }
0x83: {  	v44 =	vand.u32 $0xFFFE0000, v36;
	v36 =	vand.u32 $0xFFFE0000, v47;
	v52 =	vand.u32 $0x380, v49  }
0x84: {  	v53 =	vand.u32 $0xFFFE0000, v51;
	v57 =	vand.u32 $0x380, v56;
	v32 =	vor.u32 v32, v24  }
0x85: {  	v60 =	vor.u32 v37, v25;
	v34 =	vor.u32 v34, v26;
	v32 =	vadd.s32 v35, v32  }
0x86: {  	v45 =	vor.u32 v39, v27;
	v33 =	vadd.s32 v33, v60;
	v35 =	vand.u32 $0xFFFE0000, v62;
	[tilespmem:$0x380] =	vst v32  }
0x87: {  	v37 =	vshll.u32 v61, $0x7;
	v54 =	vor.u32 v52, v29;
	v34 =	vadd.s32 v35, v34;
	[tilespmem:$0x390] =	vst v33  }
0x88: {  	v59 =	vor.u32 v57, v30;
	v37 =	vand.u32 $0x380, v37;
	v35 =	vadd.s32 v44, v45;
	[tilespmem:$0x3A0] =	vst v34  }
0x89: {  	v60 =	vshll.u32 v48, $0xE;
	v50 =	vor.u32 v37, v28;
	v33 =	vadd.s32 v53, v54;
	[tilespmem:$0x3B0] =	vst v35  }
0x8a: {  	v32 =	vadd.s32 v36, v50;
	v34 =	vand.u32 $0xFFFE0000, v55;
	v36 =	vand.u32 $0x380, v58;
	[tilespmem:$0x3D0] =	vst v33  }
0x8b: {  	v61 =	vand.u32 $0xFFFE0000, v60;
	[tilespmem:$0x3C0] =	vst v32;
	v32 =	vadd.s32 v34, v59;
	v62 =	vor.u32 v36, v31  }
0x8c: {  	[tilespmem:$0x3E0] =	vst v32;
	v63 =	vadd.s32 v61, v62  }
0x8d: {  	[tilespmem:$0x3F0] =	vst v63  }
0x8e: {  	[tilespmem:s19], [sflag:$0x5] =	stream.indirect.gather [hbm4b:s1+s11], $0x1, s18, s11, $0xb8;
	[tilespmem:$0x600] =	vst v63  }
0x8f: {  	_ =	swait.ge [sflag:s20], $0x80  }
0x90: {  	[sflag:s20] =	ssyncset.done $0x0  }
0x91: {  	[sflag:s20] =	ssyncadd.s32 $0xFFFFFF80  }
0x92: {  	[hbm4b:s5+s3] =	stream.linear.scatter [tilespmem:s13], [sflag:$0x6], $0x80, $0x38;
	[tilespmem:$0x600] =	vst v63  }
0x93: {  	_ =	swait.ge [sflag:s21], $0x80  }
0x94: {  	[sflag:s21] =	ssyncset.done $0x0  }
0x95: {  	[sflag:s21] =	ssyncadd.s32 $0xFFFFFF80  }
0x96: {  	[hbm4b:s6+s3] =	stream.linear.scatter [tilespmem:s15], [sflag:$0x7], $0x80, $0x38;
	[tilespmem:$0x600] =	vst v63  }
0x97: {  	_ =	swait.ge [sflag:s22], $0x80  }
0x98: {  	[sflag:s22] =	ssyncset.done $0x0  }
0x99: {  	[sflag:s22] =	ssyncadd.s32 $0xFFFFFF80  }
0x9a: {  	[hbm4b:s7+s3] =	stream.linear.scatter [tilespmem:s17], [sflag:$0x8], $0x80, $0x38;
	[tilespmem:$0x600] =	vst v63  }
0x9b: {  	_ =	swait.ge [sflag:s23], $0x80  }
0x9c: {  	[sflag:s23] =	ssyncset.done $0x0  }
0x9d: {  	[sflag:s23] =	ssyncadd.s32 $0xFFFFFF80  }
0x9e: {  	[hbm4b:s8+s3] =	stream.linear.scatter [tilespmem:s19], [sflag:$0x9], $0x80, $0x38;
	[tilespmem:$0x600] =	vst v63  }
0x9f: {  	_ =	swait.ge [sflag:s24], $0x80  }
0xa0: {  	[sflag:s24] =	ssyncset.done $0x0  }
0xa1: {  	[sflag:s24] =	ssyncadd.s32 $0xFFFFFF80  }
0xa2: {  	_ =	swait.ge [sflag:s25], $0x80  }
0xa3: {  	[sflag:s25] =	ssyncset.done $0x0  }
0xa4: {  	[sflag:s25] =	ssyncadd.s32 $0xFFFFFF80  }
0xa5: {  	p0 =	sne.s32 s9, $0x1;
	_ =	swait.ge [sflag:s26], $0x80  }
.Ltmp0:
0xa6: {  	[sflag:s26] =	ssyncset.done $0x0;
	(pc) =	sbr.rel @p0 .LBB2_1-.Ltmp0, $4  }
0xa7: {  	[sflag:s26] =	ssyncadd.s32 $0xFFFFFF80  }
0xa8: {  	_ =	swait.ge [sflag:s28], $0x80  }
0xa9: {  	[sflag:s28] =	ssyncset.done $0x0  }
0xaa: {  	s9 =	sadd.s32 $0xFFFFFFFF, s9;
	[sflag:s28] =	ssyncadd.s32 $0xFFFFFF80  }
0xab: {  	_ =	sfence.sel $0x180000  }
0xac: {  	[bflag:$0x0] =	sbarrier.arrive $0xFFFF  }
0xad: {  	_ =	strace $0x90000047  }
0xae: {  	s0 =	stileid.u32;
	[bflag:$0x2] =	sbarrier.arrive $0xFFFF  }
0xaf: {  	p0 =	sne.s32 s0, $0x0;
	s0 =	rddreg [dreg:$0x3]  }
0xb0: {  	s0 =	sadd.s32 @!p0 $0x100000, s0  }
0xb1: {  	[sflag:s0] =	ssyncadd.tile.s32 @!p0 $0x1;
	_ =	shalt  }
.Lfunc_end2:
_tile_overlayer_lowered:
.L_overlay_start_2:
0xb2: {  	(tag) =	ssettag $0x2  }
0xb3: {  	s0 =	rddreg [dreg:$0x0];
	s2 =	stileid.u32  }
0xb4: {  	s1 =	rddreg [dreg:$0x1];
	p0 =	sne.s32 s2, $0x0  }
0xb5: {  	s3 =	rddreg [dreg:$0x2];
	[bflag:$0x3] =	sbarrier.arrive $0xFFFF;
	s2 =	simm.s32 @!p0 $0x1C0A  }
0xb6: {  	[timem:s3], [sflag:s2] =	dma.local @!p0 [hbm:s0], s1  }
0xb7: {  	s0 =	simm.s32 @!p0 $0xA  }
0xb8: {  	_ =	swait.ge @!p0 [sflag:s0], s1  }
0xb9: {  	s1 =	ssub.s32 @!p0 $0x0, s1;
	[sflag:s0] =	ssyncset.done @!p0 $0x0  }
0xba: {  	[sflag:s0] =	ssyncadd.s32 @!p0 s1  }
0xbb: {  	[bflag:$0x3] =	sbarrier.arrive $0xFFFF  }
0xbc: {  	_ =	shalt  }

</sc_bundles>
